<compile_context>
chip_gen: v7x
topology: tpu7x:2x2x1
jax: 0.10.2.dev20260603
libtpu: 0.0.44.dev20260713+nightly
codegen_flags: <defaults>
</compile_context>

<pallas_src>
import functools

import jax
import jax.numpy as jnp
from jax import lax
from jax.experimental import pallas as pl
from jax.experimental.pallas import tpu as pltpu
from jax.experimental.pallas import tpu_sc as plsc

_N = 10000
_E = 320000
_D = 128
_E2 = _E + _N
_NW = 32
_CH = 128
_NCH = -(-_E2 // (_NW * _CH))
_EPW = _NCH * _CH
_EP = _EPW * _NW
_NP = 10240
_RPS = _NP // 16


def _prep_body(x_ref, w_ref, as_ref, ad_ref, h_ref, av_ref, dv_ref, m_ref):
    h = jnp.dot(x_ref[...], w_ref[...], preferred_element_type=jnp.float32)
    h_ref[...] = h
    a_s = jnp.sum(h * as_ref[...], axis=1, keepdims=True)
    a_d = jnp.sum(h * ad_ref[...], axis=1, keepdims=True)
    av_ref[...] = a_s
    dv_ref[...] = a_d
    mm = jnp.max(a_s) + jnp.max(a_d)
    mm = jnp.where(mm >= 0, mm, 0.2 * mm)
    m_ref[...] = jnp.full((1, 1), mm, dtype=jnp.float32)


_prep = pl.pallas_call(
    _prep_body,
    out_shape=[
        jax.ShapeDtypeStruct((_N, _D), jnp.float32),
        jax.ShapeDtypeStruct((_N, 1), jnp.float32),
        jax.ShapeDtypeStruct((_N, 1), jnp.float32),
        jax.ShapeDtypeStruct((1, 1), jnp.float32),
    ],
)


def _sc_body(h_hbm, asrc_hbm, adst_hbm, src_hbm, dst_hbm, m_hbm,
             z_hbm, zs_hbm,
             acc_out, s_out,
             asrc_l, adst_l, src_c, dst_c, w_buf, rows, m_l,
             acc_sh, s_sh, sem):
    c = lax.axis_index("c")
    t = lax.axis_index("s")
    wid = c * 16 + t

    pltpu.sync_copy(z_hbm.at[pl.ds(t * _RPS, _RPS)],
                    acc_sh.at[pl.ds(t * _RPS, _RPS)])
    pltpu.sync_copy(zs_hbm.at[pl.ds(t * _RPS, _RPS)],
                    s_sh.at[pl.ds(t * _RPS, _RPS)])
    pltpu.sync_copy(asrc_hbm, asrc_l)
    pltpu.sync_copy(adst_hbm, adst_l)
    pltpu.sync_copy(m_hbm, m_l)
    plsc.subcore_barrier()

    mvec = m_l[...]

    def chunk(tc, carry):
        base = wid * _EPW + tc * _CH
        pltpu.sync_copy(src_hbm.at[pl.ds(base, _CH)], src_c)
        pltpu.sync_copy(dst_hbm.at[pl.ds(base, _CH)], dst_c)
        cp = pltpu.async_copy(h_hbm.at[src_c], rows, sem)
        for g in range(8):
            s16 = src_c[pl.ds(g * 16, 16)]
            d16 = dst_c[pl.ds(g * 16, 16)]
            a_s = plsc.load_gather(asrc_l, [s16])
            a_d = plsc.load_gather(adst_l, [d16])
            z = a_s + a_d
            e = jnp.where(z >= 0, z, 0.2 * z)
            w = jnp.exp(e - mvec)
            eid = base + g * 16 + lax.iota(jnp.int32, 16)
            w = jnp.where(eid < _E2, w, 0.0)
            w_buf[pl.ds(g * 16, 16)] = w
        cp.wait()

        def scale(j, _):
            jv = jnp.full((16,), j, dtype=jnp.int32)
            wv = plsc.load_gather(w_buf, [jv])
            for k in range(8):
                rows[j, pl.ds(k * 16, 16)] = rows[j, pl.ds(k * 16, 16)] * wv
            return 0

        lax.fori_loop(0, _CH, scale, 0, unroll=2)
        pltpu.sync_copy(rows, acc_sh.at[dst_c], add=True)
        pltpu.sync_copy(w_buf, s_sh.at[dst_c], add=True)
        return carry

    lax.fori_loop(0, _NCH, chunk, 0)
    plsc.subcore_barrier()
    pltpu.sync_copy(acc_sh.at[pl.ds(t * _RPS, _RPS)],
                    acc_out.at[c, pl.ds(t * _RPS, _RPS)])
    pltpu.sync_copy(s_sh.at[pl.ds(t * _RPS, _RPS)],
                    s_out.at[c, pl.ds(t * _RPS, _RPS)])


_sc_edge = functools.partial(
    pl.kernel,
    out_type=[
        jax.ShapeDtypeStruct((2, _NP, _D), jnp.float32),
        jax.ShapeDtypeStruct((2, _NP), jnp.float32),
    ],
    mesh=plsc.VectorSubcoreMesh(core_axis_name="c", subcore_axis_name="s"),
    compiler_params=pltpu.CompilerParams(
        use_tc_tiling_on_sc=False, needs_layout_passes=False),
    scratch_types=[
        pltpu.VMEM((_N,), jnp.float32),
        pltpu.VMEM((_N,), jnp.float32),
        pltpu.VMEM((_CH,), jnp.int32),
        pltpu.VMEM((_CH,), jnp.int32),
        pltpu.VMEM((_CH,), jnp.float32),
        pltpu.VMEM((_CH, _D), jnp.float32),
        pltpu.VMEM((16,), jnp.float32),
        pltpu.VMEM_SHARED((_NP, _D), jnp.float32),
        pltpu.VMEM_SHARED((_NP,), jnp.float32),
        pltpu.SemaphoreType.DMA,
    ],
)(_sc_body)


def _post_body(acc_ref, s_ref, b_ref, g_ref, be_ref, out_ref):
    a = acc_ref[0, :_N] + acc_ref[1, :_N]
    sv = s_ref[0, :_N] + s_ref[1, :_N]
    o = a / (sv + 1e-16) + b_ref[...]
    mean = jnp.mean(o, axis=0, keepdims=True)
    var = jnp.mean((o - mean) ** 2, axis=0, keepdims=True)
    o = (o - mean) / jnp.sqrt(var + 1e-5) * g_ref[...] + be_ref[...]
    out_ref[...] = jnp.maximum(o, 0.0)


_post = pl.pallas_call(
    _post_body,
    out_shape=jax.ShapeDtypeStruct((_N, _D), jnp.float32),
)


def kernel(x, edge_index, W, att_src, att_dst, bias, gamma, beta):
    h, av, dv, m = _prep(x, W, att_src, att_dst)
    pad = _EP - _E2
    loop = jnp.arange(_N, dtype=jnp.int32)
    zpad = jnp.zeros((pad,), dtype=jnp.int32)
    src = jnp.concatenate([edge_index[0], loop, zpad])
    dst = jnp.concatenate([edge_index[1], loop, zpad])
    mvec = jnp.broadcast_to(m.reshape(1), (16,))
    zeros = jnp.zeros((_NP, _D), dtype=jnp.float32)
    zeros_s = jnp.zeros((_NP,), dtype=jnp.float32)
    acc, s = _sc_edge(h, av.reshape(-1), dv.reshape(-1), src, dst, mvec,
                      zeros, zeros_s)
    out = _post(acc, s.reshape(2, _NP, 1), bias.reshape(1, _D),
                gamma.reshape(1, _D), beta.reshape(1, _D))
    return out

# --- scband reference (transcript-rebuilt; emitter-appended) ---
"""Pipeline reference for scband-gatblock-30202210025886 (READ-ONLY COPY).

The authoritative reference and input builder live on the scoring server;
editing this copy changes nothing except your own understanding.
"""

import jax, jax.numpy as jnp
import numpy as np

N = 10000
E = 320000
D_IN = 128
HEADS = 1
D_OUT = 128


def _gat_block(x, edge_index, W, att_src, att_dst, bias, gamma, beta):
    n = x.shape[0]
    # PyG GATConv adds self-loops by default
    loop = jnp.arange(n, dtype=edge_index.dtype)
    src = jnp.concatenate([edge_index[0], loop])
    dst = jnp.concatenate([edge_index[1], loop])
    # linear projection per head
    h = (x @ W).reshape(n, HEADS, D_OUT)
    # attention logits: a_src . h_j + a_dst . h_i
    alpha_src = (h * att_src[None, :, :]).sum(-1)  # [N, H]
    alpha_dst = (h * att_dst[None, :, :]).sum(-1)  # [N, H]
    e = alpha_src[src] + alpha_dst[dst]            # [E', H]
    e = jax.nn.leaky_relu(e, negative_slope=0.2)
    # softmax over incoming edges of each dst node (segment softmax)
    m = jax.ops.segment_max(e, dst, num_segments=n)
    e = jnp.exp(e - m[dst])
    s = jax.ops.segment_sum(e, dst, num_segments=n)
    alpha = e / (s[dst] + 1e-16)                   # [E', H]
    # weighted message aggregation (scatter-add)
    msg = h[src] * alpha[:, :, None]               # [E', H, D_OUT]
    out = jax.ops.segment_sum(msg, dst, num_segments=n)
    out = out.reshape(n, HEADS * D_OUT) + bias
    # BatchNorm1d (training-mode batch statistics, eps=1e-5)
    mean = out.mean(axis=0)
    var = ((out - mean) ** 2).mean(axis=0)
    out = (out - mean) / jnp.sqrt(var + 1e-5) * gamma + beta
    # ReLU (dropout_rate=0.0 -> identity)
    out = jax.nn.relu(out)
    return out


def setup_inputs(seed: int = 0):
    key = jax.random.key(seed)
    ks = jax.random.split(key, 8)
    x = jax.random.normal(ks[0], (N, D_IN), dtype=jnp.float32)
    edge_index = jax.random.randint(ks[1], (2, E), 0, N, dtype=jnp.int32)
    W = jax.random.normal(ks[2], (D_IN, HEADS * D_OUT), dtype=jnp.float32) * (1.0 / np.sqrt(D_IN))
    att_src = jax.random.normal(ks[3], (HEADS, D_OUT), dtype=jnp.float32) * (1.0 / np.sqrt(D_OUT))
    att_dst = jax.random.normal(ks[4], (HEADS, D_OUT), dtype=jnp.float32) * (1.0 / np.sqrt(D_OUT))
    bias = jnp.zeros((HEADS * D_OUT,), dtype=jnp.float32)
    gamma = jnp.ones((HEADS * D_OUT,), dtype=jnp.float32)
    beta = jnp.zeros((HEADS * D_OUT,), dtype=jnp.float32)
    return {"x": x, "edge_index": edge_index, "W": W, "att_src": att_src, "att_dst": att_dst, "bias": bias, "gamma": gamma, "beta": beta}


def reference(x, edge_index, W, att_src, att_dst, bias, gamma, beta):
    return _gat_block(x, edge_index, W, att_src, att_dst, bias, gamma, beta)

if __name__ == "__main__":
    import jax
    _d = setup_inputs()
    print(jax.jit(kernel)(*tuple(_d.values())))

</pallas_src>

<mosaic_0001>
#map = affine_map<(d0, d1) -> (0, 0)>
#map1 = affine_map<(d0, d1) -> (0)>
#map2 = affine_map<(d0, d1) -> (0, 0, 0)>
module attributes {stable_mosaic.version = 14 : i64} {
  func.func @_sc_body(%arg0: i32, %arg1: i32, %arg2: memref<10000x128xf32, #tpu.memory_space<hbm>>, %arg3: memref<10000xf32, #tpu.memory_space<hbm>>, %arg4: memref<10000xf32, #tpu.memory_space<hbm>>, %arg5: memref<331776xi32, #tpu.memory_space<hbm>>, %arg6: memref<331776xi32, #tpu.memory_space<hbm>>, %arg7: memref<16xf32, #tpu.memory_space<hbm>>, %arg8: memref<10240x128xf32, #tpu.memory_space<hbm>>, %arg9: memref<10240xf32, #tpu.memory_space<hbm>>, %arg10: memref<2x10240x128xf32, #tpu.memory_space<hbm>>, %arg11: memref<2x10240xf32, #tpu.memory_space<hbm>>, %arg12: memref<10000xf32, #tpu.memory_space<vmem>>, %arg13: memref<10000xf32, #tpu.memory_space<vmem>>, %arg14: memref<128xi32, #tpu.memory_space<vmem>>, %arg15: memref<128xi32, #tpu.memory_space<vmem>>, %arg16: memref<128xf32, #tpu.memory_space<vmem>>, %arg17: memref<128x128xf32, #tpu.memory_space<vmem>>, %arg18: memref<16xf32, #tpu.memory_space<vmem>>, %arg19: memref<10240x128xf32, #tpu.memory_space<vmem_shared>>, %arg20: memref<10240xf32, #tpu.memory_space<vmem_shared>>, %arg21: memref<!tpu.dma_semaphore, #tpu.memory_space<semaphore_mem>>) attributes {dimension_semantics = [#tpu.dimension_semantics<core_parallel>, #tpu.dimension_semantics<subcore_parallel>], iteration_bounds = array<i64: 2, 16>, scalar_prefetch = 0 : i64, scratch_operands = 10 : i64, tpu.core_type = #tpu.core_type<sc_vector_subcore>, window_params = [{transform_indices = #map}, {transform_indices = #map1}, {transform_indices = #map1}, {transform_indices = #map1}, {transform_indices = #map1}, {transform_indices = #map1}, {transform_indices = #map}, {transform_indices = #map1}, {transform_indices = #map2}, {transform_indices = #map}]} {
    %mul3A = arith.constant 16 : i32
    %mul3A_0 = arith.muli %arg0, %mul3A : i32
    %add3A = arith.addi %mul3A_0, %arg1 : i32
    %mul3A_1 = arith.constant 640 : i32
    %mul3A_2 = arith.muli %arg1, %mul3A_1 : i32
    %mul3A_3 = arith.constant 640 : i32
    %mul3A_4 = arith.muli %arg1, %mul3A_3 : i32
    "tpu.region"() ({
      %run_scoped3A = tpu.sem_alloc : memref<!tpu.dma_semaphore, #tpu.memory_space<semaphore_mem>>
      %dma_start3A = arith.constant 0 : i32
      %dma_start3A_24 = tpu.memref_slice %arg19[%mul3A_4, %dma_start3A] : memref<10240x128xf32, #tpu.memory_space<vmem_shared>> -> memref<640x128xf32, #tpu.memory_space<vmem_shared>>
      %dma_start3A_25 = arith.constant 0 : i32
      %dma_start3A_26 = tpu.memref_slice %arg8[%mul3A_2, %dma_start3A_25] : memref<10240x128xf32, #tpu.memory_space<hbm>> -> memref<640x128xf32, #tpu.memory_space<hbm>>
      tpu.enqueue_dma source(%dma_start3A_26 : memref<640x128xf32, #tpu.memory_space<hbm>>) target(%dma_start3A_24 : memref<640x128xf32, #tpu.memory_space<vmem_shared>>) target_semaphore(%run_scoped3A : memref<!tpu.dma_semaphore, #tpu.memory_space<semaphore_mem>>)
      %dma_wait3A = arith.constant 0 : i32
      %dma_wait3A_27 = tpu.memref_slice %arg19[%mul3A_4, %dma_wait3A] : memref<10240x128xf32, #tpu.memory_space<vmem_shared>> -> memref<640x128xf32, #tpu.memory_space<vmem_shared>>
      %dma_wait3A_28 = arith.constant 0 : i32
      %dma_wait3A_29 = tpu.memref_slice %arg8[%mul3A_2, %dma_wait3A_28] : memref<10240x128xf32, #tpu.memory_space<hbm>> -> memref<640x128xf32, #tpu.memory_space<hbm>>
      tpu.wait_dma2 semaphore(%run_scoped3A : memref<!tpu.dma_semaphore, #tpu.memory_space<semaphore_mem>>) src(%dma_wait3A_29 : memref<640x128xf32, #tpu.memory_space<hbm>>) dst(%dma_wait3A_27 : memref<640x128xf32, #tpu.memory_space<vmem_shared>>)
      tpu.yield
    }) : () -> ()
    %mul3A_5 = arith.constant 640 : i32
    %mul3A_6 = arith.muli %arg1, %mul3A_5 : i32
    %mul3A_7 = arith.constant 640 : i32
    %mul3A_8 = arith.muli %arg1, %mul3A_7 : i32
    "tpu.region"() ({
      %run_scoped3A = tpu.sem_alloc : memref<!tpu.dma_semaphore, #tpu.memory_space<semaphore_mem>>
      %dma_start3A = tpu.memref_slice %arg20[%mul3A_8] : memref<10240xf32, #tpu.memory_space<vmem_shared>> -> memref<640xf32, #tpu.memory_space<vmem_shared>>
      %dma_start3A_24 = tpu.memref_slice %arg9[%mul3A_6] : memref<10240xf32, #tpu.memory_space<hbm>> -> memref<640xf32, #tpu.memory_space<hbm>>
      tpu.enqueue_dma source(%dma_start3A_24 : memref<640xf32, #tpu.memory_space<hbm>>) target(%dma_start3A : memref<640xf32, #tpu.memory_space<vmem_shared>>) target_semaphore(%run_scoped3A : memref<!tpu.dma_semaphore, #tpu.memory_space<semaphore_mem>>)
      %dma_wait3A = tpu.memref_slice %arg20[%mul3A_8] : memref<10240xf32, #tpu.memory_space<vmem_shared>> -> memref<640xf32, #tpu.memory_space<vmem_shared>>
      %dma_wait3A_25 = tpu.memref_slice %arg9[%mul3A_6] : memref<10240xf32, #tpu.memory_space<hbm>> -> memref<640xf32, #tpu.memory_space<hbm>>
      tpu.wait_dma2 semaphore(%run_scoped3A : memref<!tpu.dma_semaphore, #tpu.memory_space<semaphore_mem>>) src(%dma_wait3A_25 : memref<640xf32, #tpu.memory_space<hbm>>) dst(%dma_wait3A : memref<640xf32, #tpu.memory_space<vmem_shared>>)
      tpu.yield
    }) : () -> ()
    "tpu.region"() ({
      %run_scoped3A = tpu.sem_alloc : memref<!tpu.dma_semaphore, #tpu.memory_space<semaphore_mem>>
      tpu.enqueue_dma source(%arg3 : memref<10000xf32, #tpu.memory_space<hbm>>) target(%arg12 : memref<10000xf32, #tpu.memory_space<vmem>>) target_semaphore(%run_scoped3A : memref<!tpu.dma_semaphore, #tpu.memory_space<semaphore_mem>>)
      tpu.wait_dma2 semaphore(%run_scoped3A : memref<!tpu.dma_semaphore, #tpu.memory_space<semaphore_mem>>) src(%arg3 : memref<10000xf32, #tpu.memory_space<hbm>>) dst(%arg12 : memref<10000xf32, #tpu.memory_space<vmem>>)
      tpu.yield
    }) : () -> ()
    "tpu.region"() ({
      %run_scoped3A = tpu.sem_alloc : memref<!tpu.dma_semaphore, #tpu.memory_space<semaphore_mem>>
      tpu.enqueue_dma source(%arg4 : memref<10000xf32, #tpu.memory_space<hbm>>) target(%arg13 : memref<10000xf32, #tpu.memory_space<vmem>>) target_semaphore(%run_scoped3A : memref<!tpu.dma_semaphore, #tpu.memory_space<semaphore_mem>>)
      tpu.wait_dma2 semaphore(%run_scoped3A : memref<!tpu.dma_semaphore, #tpu.memory_space<semaphore_mem>>) src(%arg4 : memref<10000xf32, #tpu.memory_space<hbm>>) dst(%arg13 : memref<10000xf32, #tpu.memory_space<vmem>>)
      tpu.yield
    }) : () -> ()
    "tpu.region"() ({
      %run_scoped3A = tpu.sem_alloc : memref<!tpu.dma_semaphore, #tpu.memory_space<semaphore_mem>>
      tpu.enqueue_dma source(%arg7 : memref<16xf32, #tpu.memory_space<hbm>>) target(%arg18 : memref<16xf32, #tpu.memory_space<vmem>>) target_semaphore(%run_scoped3A : memref<!tpu.dma_semaphore, #tpu.memory_space<semaphore_mem>>)
      tpu.wait_dma2 semaphore(%run_scoped3A : memref<!tpu.dma_semaphore, #tpu.memory_space<semaphore_mem>>) src(%arg7 : memref<16xf32, #tpu.memory_space<hbm>>) dst(%arg18 : memref<16xf32, #tpu.memory_space<vmem>>)
      tpu.yield
    }) : () -> ()
    %barrier3A = arith.constant 0 : index
    tpu.barrier barrier_id(%barrier3A)
    %get3A = arith.constant 0 : index
    %get3A_9 = tpu.vector_load %arg18[%get3A] {strides = array<i32>} : memref<16xf32, #tpu.memory_space<vmem>>, vector<16xf32>,
    %scan3A = arith.constant 0 : i32
    %scan3A_10 = arith.constant 0 : i32
    %scan3A_11 = arith.constant 81 : i32
    %scan3A_12 = arith.addi %scan3A_10, %scan3A_11 : i32
    %scan3A_13 = arith.constant 1 : i32
    scf.for %scan3A_24 = %scan3A_10 to %scan3A_12 step %scan3A_13  : i32 {
      %mul3A_25 = arith.constant 10368 : i32
      %mul3A_26 = arith.muli %add3A, %mul3A_25 : i32
      %mul3A_27 = arith.constant 128 : i32
      %mul3A_28 = arith.muli %scan3A_24, %mul3A_27 : i32
      %add3A_29 = arith.addi %mul3A_26, %mul3A_28 : i32
      "tpu.region"() ({
        %run_scoped3A = tpu.sem_alloc : memref<!tpu.dma_semaphore, #tpu.memory_space<semaphore_mem>>
        %dma_start3A_263 = tpu.memref_slice %arg5[%add3A_29] : memref<331776xi32, #tpu.memory_space<hbm>> -> memref<128xi32, #tpu.memory_space<hbm>>
        %dma_start3A_264 = tpu.memref_slice %arg5[%add3A_29] : memref<331776xi32, #tpu.memory_space<hbm>> -> memref<128xi32, #tpu.memory_space<hbm>>
        tpu.enqueue_dma source(%dma_start3A_264 : memref<128xi32, #tpu.memory_space<hbm>>) target(%arg14 : memref<128xi32, #tpu.memory_space<vmem>>) target_semaphore(%run_scoped3A : memref<!tpu.dma_semaphore, #tpu.memory_space<semaphore_mem>>)
        %dma_wait3A_265 = tpu.memref_slice %arg5[%add3A_29] : memref<331776xi32, #tpu.memory_space<hbm>> -> memref<128xi32, #tpu.memory_space<hbm>>
        %dma_wait3A_266 = tpu.memref_slice %arg5[%add3A_29] : memref<331776xi32, #tpu.memory_space<hbm>> -> memref<128xi32, #tpu.memory_space<hbm>>
        tpu.wait_dma2 semaphore(%run_scoped3A : memref<!tpu.dma_semaphore, #tpu.memory_space<semaphore_mem>>) src(%dma_wait3A_266 : memref<128xi32, #tpu.memory_space<hbm>>) dst(%arg14 : memref<128xi32, #tpu.memory_space<vmem>>)
        tpu.yield
      }) : () -> ()
      "tpu.region"() ({
        %run_scoped3A = tpu.sem_alloc : memref<!tpu.dma_semaphore, #tpu.memory_space<semaphore_mem>>
        %dma_start3A_263 = tpu.memref_slice %arg6[%add3A_29] : memref<331776xi32, #tpu.memory_space<hbm>> -> memref<128xi32, #tpu.memory_space<hbm>>
        %dma_start3A_264 = tpu.memref_slice %arg6[%add3A_29] : memref<331776xi32, #tpu.memory_space<hbm>> -> memref<128xi32, #tpu.memory_space<hbm>>
        tpu.enqueue_dma source(%dma_start3A_264 : memref<128xi32, #tpu.memory_space<hbm>>) target(%arg15 : memref<128xi32, #tpu.memory_space<vmem>>) target_semaphore(%run_scoped3A : memref<!tpu.dma_semaphore, #tpu.memory_space<semaphore_mem>>)
        %dma_wait3A_265 = tpu.memref_slice %arg6[%add3A_29] : memref<331776xi32, #tpu.memory_space<hbm>> -> memref<128xi32, #tpu.memory_space<hbm>>
        %dma_wait3A_266 = tpu.memref_slice %arg6[%add3A_29] : memref<331776xi32, #tpu.memory_space<hbm>> -> memref<128xi32, #tpu.memory_space<hbm>>
        tpu.wait_dma2 semaphore(%run_scoped3A : memref<!tpu.dma_semaphore, #tpu.memory_space<semaphore_mem>>) src(%dma_wait3A_266 : memref<128xi32, #tpu.memory_space<hbm>>) dst(%arg15 : memref<128xi32, #tpu.memory_space<vmem>>)
        tpu.yield
      }) : () -> ()
      %dma_start3A = arith.constant 0 : i32
      %dma_start3A_30 = arith.constant 0 : i32
      %dma_start3A_31 = tpu.memref_slice %arg2[%dma_start3A, %dma_start3A_30] : memref<10000x128xf32, #tpu.memory_space<hbm>> -> memref<10000x128xf32, #tpu.memory_space<hbm>>
      tpu.enqueue_indirect_dma source(%dma_start3A_31 : memref<10000x128xf32, #tpu.memory_space<hbm>>) target(%arg17 : memref<128x128xf32, #tpu.memory_space<vmem>>) offsets(%arg14 : memref<128xi32, #tpu.memory_space<vmem>>) semaphore(%arg21 : memref<!tpu.dma_semaphore, #tpu.memory_space<semaphore_mem>>)
      %get3A_32 = arith.constant 0 : index
      %get3A_33 = tpu.vector_load %arg14[%get3A_32] {strides = array<i32>} : memref<128xi32, #tpu.memory_space<vmem>>, vector<16xi32>,
      %get3A_34 = arith.constant 0 : index
      %get3A_35 = tpu.vector_load %arg15[%get3A_34] {strides = array<i32>} : memref<128xi32, #tpu.memory_space<vmem>>, vector<16xi32>,
      %gather3A = tpu.vector_load_idx %arg12[%get3A_33] : memref<10000xf32, #tpu.memory_space<vmem>>[vector<16xi32>], vector<16xf32>,
      %gather3A_36 = tpu.vector_load_idx %arg13[%get3A_35] : memref<10000xf32, #tpu.memory_space<vmem>>[vector<16xi32>], vector<16xf32>,
      %add3A_37 = arith.addf %gather3A, %gather3A_36 : vector<16xf32>
      %ge3A = arith.constant 0.000000e+00 : f32
      %ge3A_38 = vector.broadcast %ge3A : f32 to vector<16xf32>
      %ge3A_39 = arith.cmpf oge, %add3A_37, %ge3A_38 : vector<16xf32>
      %mul3A_40 = arith.constant 2.000000e-01 : f32
      %mul3A_41 = vector.broadcast %mul3A_40 : f32 to vector<16xf32>
      %mul3A_42 = arith.mulf %mul3A_41, %add3A_37 : vector<16xf32>
      %select_n3A = arith.select %ge3A_39, %add3A_37, %mul3A_42 : vector<16xi1>, vector<16xf32>
      %sub3A = arith.subf %select_n3A, %get3A_9 : vector<16xf32>
      %exp3A = math.exp %sub3A : vector<16xf32>
      %add3A_43 = arith.constant 0 : i32
      %add3A_44 = arith.addi %add3A_29, %add3A_43 : i32
      %iota3A = tpu.iota {dimensions = array<i32: 0>} : vector<16xi32>
      %add3A_45 = vector.broadcast %add3A_44 : i32 to vector<16xi32>
      %add3A_46 = arith.addi %add3A_45, %iota3A : vector<16xi32>
      %lt3A = arith.constant 330000 : i32
      %lt3A_47 = vector.broadcast %lt3A : i32 to vector<16xi32>
      %lt3A_48 = arith.cmpi slt, %add3A_46, %lt3A_47 : vector<16xi32>
      %jit3A = arith.constant 0.000000e+00 : f32
      %broadcast_in_dim3A = vector.broadcast %jit3A : f32 to vector<16xf32>
      %select_n3A_49 = arith.select %lt3A_48, %exp3A, %broadcast_in_dim3A : vector<16xi1>, vector<16xf32>
      %swap3A = arith.constant 0 : index
      %swap3A_50 = tpu.vector_load %arg16[%swap3A] {strides = array<i32>} : memref<128xf32, #tpu.memory_space<vmem>>, vector<16xf32>,
      tpu.vector_store %arg16[%swap3A], %select_n3A_49 {strides = array<i32>} : memref<128xf32, #tpu.memory_space<vmem>>, vector<16xf32>,
      %get3A_51 = arith.constant 16 : index
      %get3A_52 = tpu.vector_load %arg14[%get3A_51] {strides = array<i32>} : memref<128xi32, #tpu.memory_space<vmem>>, vector<16xi32>,
      %get3A_53 = arith.constant 16 : index
      %get3A_54 = tpu.vector_load %arg15[%get3A_53] {strides = array<i32>} : memref<128xi32, #tpu.memory_space<vmem>>, vector<16xi32>,
      %gather3A_55 = tpu.vector_load_idx %arg12[%get3A_52] : memref<10000xf32, #tpu.memory_space<vmem>>[vector<16xi32>], vector<16xf32>,
      %gather3A_56 = tpu.vector_load_idx %arg13[%get3A_54] : memref<10000xf32, #tpu.memory_space<vmem>>[vector<16xi32>], vector<16xf32>,
      %add3A_57 = arith.addf %gather3A_55, %gather3A_56 : vector<16xf32>
      %ge3A_58 = arith.constant 0.000000e+00 : f32
      %ge3A_59 = vector.broadcast %ge3A_58 : f32 to vector<16xf32>
      %ge3A_60 = arith.cmpf oge, %add3A_57, %ge3A_59 : vector<16xf32>
      %mul3A_61 = arith.constant 2.000000e-01 : f32
      %mul3A_62 = vector.broadcast %mul3A_61 : f32 to vector<16xf32>
      %mul3A_63 = arith.mulf %mul3A_62, %add3A_57 : vector<16xf32>
      %select_n3A_64 = arith.select %ge3A_60, %add3A_57, %mul3A_63 : vector<16xi1>, vector<16xf32>
      %sub3A_65 = arith.subf %select_n3A_64, %get3A_9 : vector<16xf32>
      %exp3A_66 = math.exp %sub3A_65 : vector<16xf32>
      %add3A_67 = arith.constant 16 : i32
      %add3A_68 = arith.addi %add3A_29, %add3A_67 : i32
      %iota3A_69 = tpu.iota {dimensions = array<i32: 0>} : vector<16xi32>
      %add3A_70 = vector.broadcast %add3A_68 : i32 to vector<16xi32>
      %add3A_71 = arith.addi %add3A_70, %iota3A_69 : vector<16xi32>
      %lt3A_72 = arith.constant 330000 : i32
      %lt3A_73 = vector.broadcast %lt3A_72 : i32 to vector<16xi32>
      %lt3A_74 = arith.cmpi slt, %add3A_71, %lt3A_73 : vector<16xi32>
      %jit3A_75 = arith.constant 0.000000e+00 : f32
      %broadcast_in_dim3A_76 = vector.broadcast %jit3A_75 : f32 to vector<16xf32>
      %select_n3A_77 = arith.select %lt3A_74, %exp3A_66, %broadcast_in_dim3A_76 : vector<16xi1>, vector<16xf32>
      %swap3A_78 = arith.constant 16 : index
      %swap3A_79 = tpu.vector_load %arg16[%swap3A_78] {strides = array<i32>} : memref<128xf32, #tpu.memory_space<vmem>>, vector<16xf32>,
      tpu.vector_store %arg16[%swap3A_78], %select_n3A_77 {strides = array<i32>} : memref<128xf32, #tpu.memory_space<vmem>>, vector<16xf32>,
      %get3A_80 = arith.constant 32 : index
      %get3A_81 = tpu.vector_load %arg14[%get3A_80] {strides = array<i32>} : memref<128xi32, #tpu.memory_space<vmem>>, vector<16xi32>,
      %get3A_82 = arith.constant 32 : index
      %get3A_83 = tpu.vector_load %arg15[%get3A_82] {strides = array<i32>} : memref<128xi32, #tpu.memory_space<vmem>>, vector<16xi32>,
      %gather3A_84 = tpu.vector_load_idx %arg12[%get3A_81] : memref<10000xf32, #tpu.memory_space<vmem>>[vector<16xi32>], vector<16xf32>,
      %gather3A_85 = tpu.vector_load_idx %arg13[%get3A_83] : memref<10000xf32, #tpu.memory_space<vmem>>[vector<16xi32>], vector<16xf32>,
      %add3A_86 = arith.addf %gather3A_84, %gather3A_85 : vector<16xf32>
      %ge3A_87 = arith.constant 0.000000e+00 : f32
      %ge3A_88 = vector.broadcast %ge3A_87 : f32 to vector<16xf32>
      %ge3A_89 = arith.cmpf oge, %add3A_86, %ge3A_88 : vector<16xf32>
      %mul3A_90 = arith.constant 2.000000e-01 : f32
      %mul3A_91 = vector.broadcast %mul3A_90 : f32 to vector<16xf32>
      %mul3A_92 = arith.mulf %mul3A_91, %add3A_86 : vector<16xf32>
      %select_n3A_93 = arith.select %ge3A_89, %add3A_86, %mul3A_92 : vector<16xi1>, vector<16xf32>
      %sub3A_94 = arith.subf %select_n3A_93, %get3A_9 : vector<16xf32>
      %exp3A_95 = math.exp %sub3A_94 : vector<16xf32>
      %add3A_96 = arith.constant 32 : i32
      %add3A_97 = arith.addi %add3A_29, %add3A_96 : i32
      %iota3A_98 = tpu.iota {dimensions = array<i32: 0>} : vector<16xi32>
      %add3A_99 = vector.broadcast %add3A_97 : i32 to vector<16xi32>
      %add3A_100 = arith.addi %add3A_99, %iota3A_98 : vector<16xi32>
      %lt3A_101 = arith.constant 330000 : i32
      %lt3A_102 = vector.broadcast %lt3A_101 : i32 to vector<16xi32>
      %lt3A_103 = arith.cmpi slt, %add3A_100, %lt3A_102 : vector<16xi32>
      %jit3A_104 = arith.constant 0.000000e+00 : f32
      %broadcast_in_dim3A_105 = vector.broadcast %jit3A_104 : f32 to vector<16xf32>
      %select_n3A_106 = arith.select %lt3A_103, %exp3A_95, %broadcast_in_dim3A_105 : vector<16xi1>, vector<16xf32>
      %swap3A_107 = arith.constant 32 : index
      %swap3A_108 = tpu.vector_load %arg16[%swap3A_107] {strides = array<i32>} : memref<128xf32, #tpu.memory_space<vmem>>, vector<16xf32>,
      tpu.vector_store %arg16[%swap3A_107], %select_n3A_106 {strides = array<i32>} : memref<128xf32, #tpu.memory_space<vmem>>, vector<16xf32>,
      %get3A_109 = arith.constant 48 : index
      %get3A_110 = tpu.vector_load %arg14[%get3A_109] {strides = array<i32>} : memref<128xi32, #tpu.memory_space<vmem>>, vector<16xi32>,
      %get3A_111 = arith.constant 48 : index
      %get3A_112 = tpu.vector_load %arg15[%get3A_111] {strides = array<i32>} : memref<128xi32, #tpu.memory_space<vmem>>, vector<16xi32>,
      %gather3A_113 = tpu.vector_load_idx %arg12[%get3A_110] : memref<10000xf32, #tpu.memory_space<vmem>>[vector<16xi32>], vector<16xf32>,
      %gather3A_114 = tpu.vector_load_idx %arg13[%get3A_112] : memref<10000xf32, #tpu.memory_space<vmem>>[vector<16xi32>], vector<16xf32>,
      %add3A_115 = arith.addf %gather3A_113, %gather3A_114 : vector<16xf32>
      %ge3A_116 = arith.constant 0.000000e+00 : f32
      %ge3A_117 = vector.broadcast %ge3A_116 : f32 to vector<16xf32>
      %ge3A_118 = arith.cmpf oge, %add3A_115, %ge3A_117 : vector<16xf32>
      %mul3A_119 = arith.constant 2.000000e-01 : f32
      %mul3A_120 = vector.broadcast %mul3A_119 : f32 to vector<16xf32>
      %mul3A_121 = arith.mulf %mul3A_120, %add3A_115 : vector<16xf32>
      %select_n3A_122 = arith.select %ge3A_118, %add3A_115, %mul3A_121 : vector<16xi1>, vector<16xf32>
      %sub3A_123 = arith.subf %select_n3A_122, %get3A_9 : vector<16xf32>
      %exp3A_124 = math.exp %sub3A_123 : vector<16xf32>
      %add3A_125 = arith.constant 48 : i32
      %add3A_126 = arith.addi %add3A_29, %add3A_125 : i32
      %iota3A_127 = tpu.iota {dimensions = array<i32: 0>} : vector<16xi32>
      %add3A_128 = vector.broadcast %add3A_126 : i32 to vector<16xi32>
      %add3A_129 = arith.addi %add3A_128, %iota3A_127 : vector<16xi32>
      %lt3A_130 = arith.constant 330000 : i32
      %lt3A_131 = vector.broadcast %lt3A_130 : i32 to vector<16xi32>
      %lt3A_132 = arith.cmpi slt, %add3A_129, %lt3A_131 : vector<16xi32>
      %jit3A_133 = arith.constant 0.000000e+00 : f32
      %broadcast_in_dim3A_134 = vector.broadcast %jit3A_133 : f32 to vector<16xf32>
      %select_n3A_135 = arith.select %lt3A_132, %exp3A_124, %broadcast_in_dim3A_134 : vector<16xi1>, vector<16xf32>
      %swap3A_136 = arith.constant 48 : index
      %swap3A_137 = tpu.vector_load %arg16[%swap3A_136] {strides = array<i32>} : memref<128xf32, #tpu.memory_space<vmem>>, vector<16xf32>,
      tpu.vector_store %arg16[%swap3A_136], %select_n3A_135 {strides = array<i32>} : memref<128xf32, #tpu.memory_space<vmem>>, vector<16xf32>,
      %get3A_138 = arith.constant 64 : index
      %get3A_139 = tpu.vector_load %arg14[%get3A_138] {strides = array<i32>} : memref<128xi32, #tpu.memory_space<vmem>>, vector<16xi32>,
      %get3A_140 = arith.constant 64 : index
      %get3A_141 = tpu.vector_load %arg15[%get3A_140] {strides = array<i32>} : memref<128xi32, #tpu.memory_space<vmem>>, vector<16xi32>,
      %gather3A_142 = tpu.vector_load_idx %arg12[%get3A_139] : memref<10000xf32, #tpu.memory_space<vmem>>[vector<16xi32>], vector<16xf32>,
      %gather3A_143 = tpu.vector_load_idx %arg13[%get3A_141] : memref<10000xf32, #tpu.memory_space<vmem>>[vector<16xi32>], vector<16xf32>,
      %add3A_144 = arith.addf %gather3A_142, %gather3A_143 : vector<16xf32>
      %ge3A_145 = arith.constant 0.000000e+00 : f32
      %ge3A_146 = vector.broadcast %ge3A_145 : f32 to vector<16xf32>
      %ge3A_147 = arith.cmpf oge, %add3A_144, %ge3A_146 : vector<16xf32>
      %mul3A_148 = arith.constant 2.000000e-01 : f32
      %mul3A_149 = vector.broadcast %mul3A_148 : f32 to vector<16xf32>
      %mul3A_150 = arith.mulf %mul3A_149, %add3A_144 : vector<16xf32>
      %select_n3A_151 = arith.select %ge3A_147, %add3A_144, %mul3A_150 : vector<16xi1>, vector<16xf32>
      %sub3A_152 = arith.subf %select_n3A_151, %get3A_9 : vector<16xf32>
      %exp3A_153 = math.exp %sub3A_152 : vector<16xf32>
      %add3A_154 = arith.constant 64 : i32
      %add3A_155 = arith.addi %add3A_29, %add3A_154 : i32
      %iota3A_156 = tpu.iota {dimensions = array<i32: 0>} : vector<16xi32>
      %add3A_157 = vector.broadcast %add3A_155 : i32 to vector<16xi32>
      %add3A_158 = arith.addi %add3A_157, %iota3A_156 : vector<16xi32>
      %lt3A_159 = arith.constant 330000 : i32
      %lt3A_160 = vector.broadcast %lt3A_159 : i32 to vector<16xi32>
      %lt3A_161 = arith.cmpi slt, %add3A_158, %lt3A_160 : vector<16xi32>
      %jit3A_162 = arith.constant 0.000000e+00 : f32
      %broadcast_in_dim3A_163 = vector.broadcast %jit3A_162 : f32 to vector<16xf32>
      %select_n3A_164 = arith.select %lt3A_161, %exp3A_153, %broadcast_in_dim3A_163 : vector<16xi1>, vector<16xf32>
      %swap3A_165 = arith.constant 64 : index
      %swap3A_166 = tpu.vector_load %arg16[%swap3A_165] {strides = array<i32>} : memref<128xf32, #tpu.memory_space<vmem>>, vector<16xf32>,
      tpu.vector_store %arg16[%swap3A_165], %select_n3A_164 {strides = array<i32>} : memref<128xf32, #tpu.memory_space<vmem>>, vector<16xf32>,
      %get3A_167 = arith.constant 80 : index
      %get3A_168 = tpu.vector_load %arg14[%get3A_167] {strides = array<i32>} : memref<128xi32, #tpu.memory_space<vmem>>, vector<16xi32>,
      %get3A_169 = arith.constant 80 : index
      %get3A_170 = tpu.vector_load %arg15[%get3A_169] {strides = array<i32>} : memref<128xi32, #tpu.memory_space<vmem>>, vector<16xi32>,
      %gather3A_171 = tpu.vector_load_idx %arg12[%get3A_168] : memref<10000xf32, #tpu.memory_space<vmem>>[vector<16xi32>], vector<16xf32>,
      %gather3A_172 = tpu.vector_load_idx %arg13[%get3A_170] : memref<10000xf32, #tpu.memory_space<vmem>>[vector<16xi32>], vector<16xf32>,
      %add3A_173 = arith.addf %gather3A_171, %gather3A_172 : vector<16xf32>
      %ge3A_174 = arith.constant 0.000000e+00 : f32
      %ge3A_175 = vector.broadcast %ge3A_174 : f32 to vector<16xf32>
      %ge3A_176 = arith.cmpf oge, %add3A_173, %ge3A_175 : vector<16xf32>
      %mul3A_177 = arith.constant 2.000000e-01 : f32
      %mul3A_178 = vector.broadcast %mul3A_177 : f32 to vector<16xf32>
      %mul3A_179 = arith.mulf %mul3A_178, %add3A_173 : vector<16xf32>
      %select_n3A_180 = arith.select %ge3A_176, %add3A_173, %mul3A_179 : vector<16xi1>, vector<16xf32>
      %sub3A_181 = arith.subf %select_n3A_180, %get3A_9 : vector<16xf32>
      %exp3A_182 = math.exp %sub3A_181 : vector<16xf32>
      %add3A_183 = arith.constant 80 : i32
      %add3A_184 = arith.addi %add3A_29, %add3A_183 : i32
      %iota3A_185 = tpu.iota {dimensions = array<i32: 0>} : vector<16xi32>
      %add3A_186 = vector.broadcast %add3A_184 : i32 to vector<16xi32>
      %add3A_187 = arith.addi %add3A_186, %iota3A_185 : vector<16xi32>
      %lt3A_188 = arith.constant 330000 : i32
      %lt3A_189 = vector.broadcast %lt3A_188 : i32 to vector<16xi32>
      %lt3A_190 = arith.cmpi slt, %add3A_187, %lt3A_189 : vector<16xi32>
      %jit3A_191 = arith.constant 0.000000e+00 : f32
      %broadcast_in_dim3A_192 = vector.broadcast %jit3A_191 : f32 to vector<16xf32>
      %select_n3A_193 = arith.select %lt3A_190, %exp3A_182, %broadcast_in_dim3A_192 : vector<16xi1>, vector<16xf32>
      %swap3A_194 = arith.constant 80 : index
      %swap3A_195 = tpu.vector_load %arg16[%swap3A_194] {strides = array<i32>} : memref<128xf32, #tpu.memory_space<vmem>>, vector<16xf32>,
      tpu.vector_store %arg16[%swap3A_194], %select_n3A_193 {strides = array<i32>} : memref<128xf32, #tpu.memory_space<vmem>>, vector<16xf32>,
      %get3A_196 = arith.constant 96 : index
      %get3A_197 = tpu.vector_load %arg14[%get3A_196] {strides = array<i32>} : memref<128xi32, #tpu.memory_space<vmem>>, vector<16xi32>,
      %get3A_198 = arith.constant 96 : index
      %get3A_199 = tpu.vector_load %arg15[%get3A_198] {strides = array<i32>} : memref<128xi32, #tpu.memory_space<vmem>>, vector<16xi32>,
      %gather3A_200 = tpu.vector_load_idx %arg12[%get3A_197] : memref<10000xf32, #tpu.memory_space<vmem>>[vector<16xi32>], vector<16xf32>,
      %gather3A_201 = tpu.vector_load_idx %arg13[%get3A_199] : memref<10000xf32, #tpu.memory_space<vmem>>[vector<16xi32>], vector<16xf32>,
      %add3A_202 = arith.addf %gather3A_200, %gather3A_201 : vector<16xf32>
      %ge3A_203 = arith.constant 0.000000e+00 : f32
      %ge3A_204 = vector.broadcast %ge3A_203 : f32 to vector<16xf32>
      %ge3A_205 = arith.cmpf oge, %add3A_202, %ge3A_204 : vector<16xf32>
      %mul3A_206 = arith.constant 2.000000e-01 : f32
      %mul3A_207 = vector.broadcast %mul3A_206 : f32 to vector<16xf32>
      %mul3A_208 = arith.mulf %mul3A_207, %add3A_202 : vector<16xf32>
      %select_n3A_209 = arith.select %ge3A_205, %add3A_202, %mul3A_208 : vector<16xi1>, vector<16xf32>
      %sub3A_210 = arith.subf %select_n3A_209, %get3A_9 : vector<16xf32>
      %exp3A_211 = math.exp %sub3A_210 : vector<16xf32>
      %add3A_212 = arith.constant 96 : i32
      %add3A_213 = arith.addi %add3A_29, %add3A_212 : i32
      %iota3A_214 = tpu.iota {dimensions = array<i32: 0>} : vector<16xi32>
      %add3A_215 = vector.broadcast %add3A_213 : i32 to vector<16xi32>
      %add3A_216 = arith.addi %add3A_215, %iota3A_214 : vector<16xi32>
      %lt3A_217 = arith.constant 330000 : i32
      %lt3A_218 = vector.broadcast %lt3A_217 : i32 to vector<16xi32>
      %lt3A_219 = arith.cmpi slt, %add3A_216, %lt3A_218 : vector<16xi32>
      %jit3A_220 = arith.constant 0.000000e+00 : f32
      %broadcast_in_dim3A_221 = vector.broadcast %jit3A_220 : f32 to vector<16xf32>
      %select_n3A_222 = arith.select %lt3A_219, %exp3A_211, %broadcast_in_dim3A_221 : vector<16xi1>, vector<16xf32>
      %swap3A_223 = arith.constant 96 : index
      %swap3A_224 = tpu.vector_load %arg16[%swap3A_223] {strides = array<i32>} : memref<128xf32, #tpu.memory_space<vmem>>, vector<16xf32>,
      tpu.vector_store %arg16[%swap3A_223], %select_n3A_222 {strides = array<i32>} : memref<128xf32, #tpu.memory_space<vmem>>, vector<16xf32>,
      %get3A_225 = arith.constant 112 : index
      %get3A_226 = tpu.vector_load %arg14[%get3A_225] {strides = array<i32>} : memref<128xi32, #tpu.memory_space<vmem>>, vector<16xi32>,
      %get3A_227 = arith.constant 112 : index
      %get3A_228 = tpu.vector_load %arg15[%get3A_227] {strides = array<i32>} : memref<128xi32, #tpu.memory_space<vmem>>, vector<16xi32>,
      %gather3A_229 = tpu.vector_load_idx %arg12[%get3A_226] : memref<10000xf32, #tpu.memory_space<vmem>>[vector<16xi32>], vector<16xf32>,
      %gather3A_230 = tpu.vector_load_idx %arg13[%get3A_228] : memref<10000xf32, #tpu.memory_space<vmem>>[vector<16xi32>], vector<16xf32>,
      %add3A_231 = arith.addf %gather3A_229, %gather3A_230 : vector<16xf32>
      %ge3A_232 = arith.constant 0.000000e+00 : f32
      %ge3A_233 = vector.broadcast %ge3A_232 : f32 to vector<16xf32>
      %ge3A_234 = arith.cmpf oge, %add3A_231, %ge3A_233 : vector<16xf32>
      %mul3A_235 = arith.constant 2.000000e-01 : f32
      %mul3A_236 = vector.broadcast %mul3A_235 : f32 to vector<16xf32>
      %mul3A_237 = arith.mulf %mul3A_236, %add3A_231 : vector<16xf32>
      %select_n3A_238 = arith.select %ge3A_234, %add3A_231, %mul3A_237 : vector<16xi1>, vector<16xf32>
      %sub3A_239 = arith.subf %select_n3A_238, %get3A_9 : vector<16xf32>
      %exp3A_240 = math.exp %sub3A_239 : vector<16xf32>
      %add3A_241 = arith.constant 112 : i32
      %add3A_242 = arith.addi %add3A_29, %add3A_241 : i32
      %iota3A_243 = tpu.iota {dimensions = array<i32: 0>} : vector<16xi32>
      %add3A_244 = vector.broadcast %add3A_242 : i32 to vector<16xi32>
      %add3A_245 = arith.addi %add3A_244, %iota3A_243 : vector<16xi32>
      %lt3A_246 = arith.constant 330000 : i32
      %lt3A_247 = vector.broadcast %lt3A_246 : i32 to vector<16xi32>
      %lt3A_248 = arith.cmpi slt, %add3A_245, %lt3A_247 : vector<16xi32>
      %jit3A_249 = arith.constant 0.000000e+00 : f32
      %broadcast_in_dim3A_250 = vector.broadcast %jit3A_249 : f32 to vector<16xf32>
      %select_n3A_251 = arith.select %lt3A_248, %exp3A_240, %broadcast_in_dim3A_250 : vector<16xi1>, vector<16xf32>
      %swap3A_252 = arith.constant 112 : index
      %swap3A_253 = tpu.vector_load %arg16[%swap3A_252] {strides = array<i32>} : memref<128xf32, #tpu.memory_space<vmem>>, vector<16xf32>,
      tpu.vector_store %arg16[%swap3A_252], %select_n3A_251 {strides = array<i32>} : memref<128xf32, #tpu.memory_space<vmem>>, vector<16xf32>,
      %dma_wait3A = arith.constant 0 : i32
      %dma_wait3A_254 = arith.constant 0 : i32
      %dma_wait3A_255 = tpu.memref_slice %arg2[%dma_wait3A, %dma_wait3A_254] : memref<10000x128xf32, #tpu.memory_space<hbm>> -> memref<10000x128xf32, #tpu.memory_space<hbm>>
      tpu.wait_indirect_dma semaphore(%arg21 : memref<!tpu.dma_semaphore, #tpu.memory_space<semaphore_mem>>) src(%dma_wait3A_255 : memref<10000x128xf32, #tpu.memory_space<hbm>>) dst(%arg17 : memref<128x128xf32, #tpu.memory_space<vmem>>)
      %scan3A_256 = arith.constant 0 : i32
      %scan3A_257 = arith.constant 0 : i32
      %scan3A_258 = arith.constant 128 : i32
      %scan3A_259 = arith.addi %scan3A_257, %scan3A_258 : i32
      %scan3A_260 = arith.constant 2 : i32
      %scan3A_261 = scf.for %scan3A_263 = %scan3A_257 to %scan3A_259 step %scan3A_260 iter_args(%scan3A_264 = %scan3A_256) -> (i32)  : i32 {
        %broadcast_in_dim3A_265 = vector.broadcast %scan3A_263 : i32 to vector<16xi32>
        %gather3A_266 = tpu.vector_load_idx %arg16[%broadcast_in_dim3A_265] : memref<128xf32, #tpu.memory_space<vmem>>[vector<16xi32>], vector<16xf32>,
        %get3A_267 = arith.index_cast %scan3A_263 : i32 to index
        %get3A_268 = arith.constant 0 : index
        %get3A_269 = tpu.vector_load %arg17[%get3A_267, %get3A_268] {strides = array<i32>} : memref<128x128xf32, #tpu.memory_space<vmem>>, vector<16xf32>,
        %mul3A_270 = arith.mulf %get3A_269, %gather3A_266 : vector<16xf32>
        %swap3A_271 = arith.index_cast %scan3A_263 : i32 to index
        %swap3A_272 = arith.constant 0 : index
        %swap3A_273 = tpu.vector_load %arg17[%swap3A_271, %swap3A_272] {strides = array<i32>} : memref<128x128xf32, #tpu.memory_space<vmem>>, vector<16xf32>,
        tpu.vector_store %arg17[%swap3A_271, %swap3A_272], %mul3A_270 {strides = array<i32>} : memref<128x128xf32, #tpu.memory_space<vmem>>, vector<16xf32>,
        %get3A_274 = arith.index_cast %scan3A_263 : i32 to index
        %get3A_275 = arith.constant 16 : index
        %get3A_276 = tpu.vector_load %arg17[%get3A_274, %get3A_275] {strides = array<i32>} : memref<128x128xf32, #tpu.memory_space<vmem>>, vector<16xf32>,
        %mul3A_277 = arith.mulf %get3A_276, %gather3A_266 : vector<16xf32>
        %swap3A_278 = arith.index_cast %scan3A_263 : i32 to index
        %swap3A_279 = arith.constant 16 : index
        %swap3A_280 = tpu.vector_load %arg17[%swap3A_278, %swap3A_279] {strides = array<i32>} : memref<128x128xf32, #tpu.memory_space<vmem>>, vector<16xf32>,
        tpu.vector_store %arg17[%swap3A_278, %swap3A_279], %mul3A_277 {strides = array<i32>} : memref<128x128xf32, #tpu.memory_space<vmem>>, vector<16xf32>,
        %get3A_281 = arith.index_cast %scan3A_263 : i32 to index
        %get3A_282 = arith.constant 32 : index
        %get3A_283 = tpu.vector_load %arg17[%get3A_281, %get3A_282] {strides = array<i32>} : memref<128x128xf32, #tpu.memory_space<vmem>>, vector<16xf32>,
        %mul3A_284 = arith.mulf %get3A_283, %gather3A_266 : vector<16xf32>
        %swap3A_285 = arith.index_cast %scan3A_263 : i32 to index
        %swap3A_286 = arith.constant 32 : index
        %swap3A_287 = tpu.vector_load %arg17[%swap3A_285, %swap3A_286] {strides = array<i32>} : memref<128x128xf32, #tpu.memory_space<vmem>>, vector<16xf32>,
        tpu.vector_store %arg17[%swap3A_285, %swap3A_286], %mul3A_284 {strides = array<i32>} : memref<128x128xf32, #tpu.memory_space<vmem>>, vector<16xf32>,
        %get3A_288 = arith.index_cast %scan3A_263 : i32 to index
        %get3A_289 = arith.constant 48 : index
        %get3A_290 = tpu.vector_load %arg17[%get3A_288, %get3A_289] {strides = array<i32>} : memref<128x128xf32, #tpu.memory_space<vmem>>, vector<16xf32>,
        %mul3A_291 = arith.mulf %get3A_290, %gather3A_266 : vector<16xf32>
        %swap3A_292 = arith.index_cast %scan3A_263 : i32 to index
        %swap3A_293 = arith.constant 48 : index
        %swap3A_294 = tpu.vector_load %arg17[%swap3A_292, %swap3A_293] {strides = array<i32>} : memref<128x128xf32, #tpu.memory_space<vmem>>, vector<16xf32>,
        tpu.vector_store %arg17[%swap3A_292, %swap3A_293], %mul3A_291 {strides = array<i32>} : memref<128x128xf32, #tpu.memory_space<vmem>>, vector<16xf32>,
        %get3A_295 = arith.index_cast %scan3A_263 : i32 to index
        %get3A_296 = arith.constant 64 : index
        %get3A_297 = tpu.vector_load %arg17[%get3A_295, %get3A_296] {strides = array<i32>} : memref<128x128xf32, #tpu.memory_space<vmem>>, vector<16xf32>,
        %mul3A_298 = arith.mulf %get3A_297, %gather3A_266 : vector<16xf32>
        %swap3A_299 = arith.index_cast %scan3A_263 : i32 to index
        %swap3A_300 = arith.constant 64 : index
        %swap3A_301 = tpu.vector_load %arg17[%swap3A_299, %swap3A_300] {strides = array<i32>} : memref<128x128xf32, #tpu.memory_space<vmem>>, vector<16xf32>,
        tpu.vector_store %arg17[%swap3A_299, %swap3A_300], %mul3A_298 {strides = array<i32>} : memref<128x128xf32, #tpu.memory_space<vmem>>, vector<16xf32>,
        %get3A_302 = arith.index_cast %scan3A_263 : i32 to index
        %get3A_303 = arith.constant 80 : index
        %get3A_304 = tpu.vector_load %arg17[%get3A_302, %get3A_303] {strides = array<i32>} : memref<128x128xf32, #tpu.memory_space<vmem>>, vector<16xf32>,
        %mul3A_305 = arith.mulf %get3A_304, %gather3A_266 : vector<16xf32>
        %swap3A_306 = arith.index_cast %scan3A_263 : i32 to index
        %swap3A_307 = arith.constant 80 : index
        %swap3A_308 = tpu.vector_load %arg17[%swap3A_306, %swap3A_307] {strides = array<i32>} : memref<128x128xf32, #tpu.memory_space<vmem>>, vector<16xf32>,
        tpu.vector_store %arg17[%swap3A_306, %swap3A_307], %mul3A_305 {strides = array<i32>} : memref<128x128xf32, #tpu.memory_space<vmem>>, vector<16xf32>,
        %get3A_309 = arith.index_cast %scan3A_263 : i32 to index
        %get3A_310 = arith.constant 96 : index
        %get3A_311 = tpu.vector_load %arg17[%get3A_309, %get3A_310] {strides = array<i32>} : memref<128x128xf32, #tpu.memory_space<vmem>>, vector<16xf32>,
        %mul3A_312 = arith.mulf %get3A_311, %gather3A_266 : vector<16xf32>
        %swap3A_313 = arith.index_cast %scan3A_263 : i32 to index
        %swap3A_314 = arith.constant 96 : index
        %swap3A_315 = tpu.vector_load %arg17[%swap3A_313, %swap3A_314] {strides = array<i32>} : memref<128x128xf32, #tpu.memory_space<vmem>>, vector<16xf32>,
        tpu.vector_store %arg17[%swap3A_313, %swap3A_314], %mul3A_312 {strides = array<i32>} : memref<128x128xf32, #tpu.memory_space<vmem>>, vector<16xf32>,
        %get3A_316 = arith.index_cast %scan3A_263 : i32 to index
        %get3A_317 = arith.constant 112 : index
        %get3A_318 = tpu.vector_load %arg17[%get3A_316, %get3A_317] {strides = array<i32>} : memref<128x128xf32, #tpu.memory_space<vmem>>, vector<16xf32>,
        %mul3A_319 = arith.mulf %get3A_318, %gather3A_266 : vector<16xf32>
        %swap3A_320 = arith.index_cast %scan3A_263 : i32 to index
        %swap3A_321 = arith.constant 112 : index
        %swap3A_322 = tpu.vector_load %arg17[%swap3A_320, %swap3A_321] {strides = array<i32>} : memref<128x128xf32, #tpu.memory_space<vmem>>, vector<16xf32>,
        tpu.vector_store %arg17[%swap3A_320, %swap3A_321], %mul3A_319 {strides = array<i32>} : memref<128x128xf32, #tpu.memory_space<vmem>>, vector<16xf32>,
        %scan3A_323 = arith.constant 0 : i32
        %scan3A_324 = arith.constant 1 : i32
        %scan3A_325 = arith.addi %scan3A_263, %scan3A_324 : i32
        %broadcast_in_dim3A_326 = vector.broadcast %scan3A_325 : i32 to vector<16xi32>
        %gather3A_327 = tpu.vector_load_idx %arg16[%broadcast_in_dim3A_326] : memref<128xf32, #tpu.memory_space<vmem>>[vector<16xi32>], vector<16xf32>,
        %get3A_328 = arith.index_cast %scan3A_325 : i32 to index
        %get3A_329 = arith.constant 0 : index
        %get3A_330 = tpu.vector_load %arg17[%get3A_328, %get3A_329] {strides = array<i32>} : memref<128x128xf32, #tpu.memory_space<vmem>>, vector<16xf32>,
        %mul3A_331 = arith.mulf %get3A_330, %gather3A_327 : vector<16xf32>
        %swap3A_332 = arith.index_cast %scan3A_325 : i32 to index
        %swap3A_333 = arith.constant 0 : index
        %swap3A_334 = tpu.vector_load %arg17[%swap3A_332, %swap3A_333] {strides = array<i32>} : memref<128x128xf32, #tpu.memory_space<vmem>>, vector<16xf32>,
        tpu.vector_store %arg17[%swap3A_332, %swap3A_333], %mul3A_331 {strides = array<i32>} : memref<128x128xf32, #tpu.memory_space<vmem>>, vector<16xf32>,
        %get3A_335 = arith.index_cast %scan3A_325 : i32 to index
        %get3A_336 = arith.constant 16 : index
        %get3A_337 = tpu.vector_load %arg17[%get3A_335, %get3A_336] {strides = array<i32>} : memref<128x128xf32, #tpu.memory_space<vmem>>, vector<16xf32>,
        %mul3A_338 = arith.mulf %get3A_337, %gather3A_327 : vector<16xf32>
        %swap3A_339 = arith.index_cast %scan3A_325 : i32 to index
        %swap3A_340 = arith.constant 16 : index
        %swap3A_341 = tpu.vector_load %arg17[%swap3A_339, %swap3A_340] {strides = array<i32>} : memref<128x128xf32, #tpu.memory_space<vmem>>, vector<16xf32>,
        tpu.vector_store %arg17[%swap3A_339, %swap3A_340], %mul3A_338 {strides = array<i32>} : memref<128x128xf32, #tpu.memory_space<vmem>>, vector<16xf32>,
        %get3A_342 = arith.index_cast %scan3A_325 : i32 to index
        %get3A_343 = arith.constant 32 : index
        %get3A_344 = tpu.vector_load %arg17[%get3A_342, %get3A_343] {strides = array<i32>} : memref<128x128xf32, #tpu.memory_space<vmem>>, vector<16xf32>,
        %mul3A_345 = arith.mulf %get3A_344, %gather3A_327 : vector<16xf32>
        %swap3A_346 = arith.index_cast %scan3A_325 : i32 to index
        %swap3A_347 = arith.constant 32 : index
        %swap3A_348 = tpu.vector_load %arg17[%swap3A_346, %swap3A_347] {strides = array<i32>} : memref<128x128xf32, #tpu.memory_space<vmem>>, vector<16xf32>,
        tpu.vector_store %arg17[%swap3A_346, %swap3A_347], %mul3A_345 {strides = array<i32>} : memref<128x128xf32, #tpu.memory_space<vmem>>, vector<16xf32>,
        %get3A_349 = arith.index_cast %scan3A_325 : i32 to index
        %get3A_350 = arith.constant 48 : index
        %get3A_351 = tpu.vector_load %arg17[%get3A_349, %get3A_350] {strides = array<i32>} : memref<128x128xf32, #tpu.memory_space<vmem>>, vector<16xf32>,
        %mul3A_352 = arith.mulf %get3A_351, %gather3A_327 : vector<16xf32>
        %swap3A_353 = arith.index_cast %scan3A_325 : i32 to index
        %swap3A_354 = arith.constant 48 : index
        %swap3A_355 = tpu.vector_load %arg17[%swap3A_353, %swap3A_354] {strides = array<i32>} : memref<128x128xf32, #tpu.memory_space<vmem>>, vector<16xf32>,
        tpu.vector_store %arg17[%swap3A_353, %swap3A_354], %mul3A_352 {strides = array<i32>} : memref<128x128xf32, #tpu.memory_space<vmem>>, vector<16xf32>,
        %get3A_356 = arith.index_cast %scan3A_325 : i32 to index
        %get3A_357 = arith.constant 64 : index
        %get3A_358 = tpu.vector_load %arg17[%get3A_356, %get3A_357] {strides = array<i32>} : memref<128x128xf32, #tpu.memory_space<vmem>>, vector<16xf32>,
        %mul3A_359 = arith.mulf %get3A_358, %gather3A_327 : vector<16xf32>
        %swap3A_360 = arith.index_cast %scan3A_325 : i32 to index
        %swap3A_361 = arith.constant 64 : index
        %swap3A_362 = tpu.vector_load %arg17[%swap3A_360, %swap3A_361] {strides = array<i32>} : memref<128x128xf32, #tpu.memory_space<vmem>>, vector<16xf32>,
        tpu.vector_store %arg17[%swap3A_360, %swap3A_361], %mul3A_359 {strides = array<i32>} : memref<128x128xf32, #tpu.memory_space<vmem>>, vector<16xf32>,
        %get3A_363 = arith.index_cast %scan3A_325 : i32 to index
        %get3A_364 = arith.constant 80 : index
        %get3A_365 = tpu.vector_load %arg17[%get3A_363, %get3A_364] {strides = array<i32>} : memref<128x128xf32, #tpu.memory_space<vmem>>, vector<16xf32>,
        %mul3A_366 = arith.mulf %get3A_365, %gather3A_327 : vector<16xf32>
        %swap3A_367 = arith.index_cast %scan3A_325 : i32 to index
        %swap3A_368 = arith.constant 80 : index
        %swap3A_369 = tpu.vector_load %arg17[%swap3A_367, %swap3A_368] {strides = array<i32>} : memref<128x128xf32, #tpu.memory_space<vmem>>, vector<16xf32>,
        tpu.vector_store %arg17[%swap3A_367, %swap3A_368], %mul3A_366 {strides = array<i32>} : memref<128x128xf32, #tpu.memory_space<vmem>>, vector<16xf32>,
        %get3A_370 = arith.index_cast %scan3A_325 : i32 to index
        %get3A_371 = arith.constant 96 : index
        %get3A_372 = tpu.vector_load %arg17[%get3A_370, %get3A_371] {strides = array<i32>} : memref<128x128xf32, #tpu.memory_space<vmem>>, vector<16xf32>,
        %mul3A_373 = arith.mulf %get3A_372, %gather3A_327 : vector<16xf32>
        %swap3A_374 = arith.index_cast %scan3A_325 : i32 to index
        %swap3A_375 = arith.constant 96 : index
        %swap3A_376 = tpu.vector_load %arg17[%swap3A_374, %swap3A_375] {strides = array<i32>} : memref<128x128xf32, #tpu.memory_space<vmem>>, vector<16xf32>,
        tpu.vector_store %arg17[%swap3A_374, %swap3A_375], %mul3A_373 {strides = array<i32>} : memref<128x128xf32, #tpu.memory_space<vmem>>, vector<16xf32>,
        %get3A_377 = arith.index_cast %scan3A_325 : i32 to index
        %get3A_378 = arith.constant 112 : index
        %get3A_379 = tpu.vector_load %arg17[%get3A_377, %get3A_378] {strides = array<i32>} : memref<128x128xf32, #tpu.memory_space<vmem>>, vector<16xf32>,
        %mul3A_380 = arith.mulf %get3A_379, %gather3A_327 : vector<16xf32>
        %swap3A_381 = arith.index_cast %scan3A_325 : i32 to index
        %swap3A_382 = arith.constant 112 : index
        %swap3A_383 = tpu.vector_load %arg17[%swap3A_381, %swap3A_382] {strides = array<i32>} : memref<128x128xf32, #tpu.memory_space<vmem>>, vector<16xf32>,
        tpu.vector_store %arg17[%swap3A_381, %swap3A_382], %mul3A_380 {strides = array<i32>} : memref<128x128xf32, #tpu.memory_space<vmem>>, vector<16xf32>,
        %scan3A_384 = arith.constant 0 : i32
        scf.yield %scan3A_384 : i32
      }
      %scan3A_262 = arith.constant 128 : i32
      "tpu.region"() ({
        %run_scoped3A = tpu.sem_alloc : memref<!tpu.dma_semaphore, #tpu.memory_space<semaphore_mem>>
        %dma_start3A_263 = arith.constant 0 : i32
        %dma_start3A_264 = arith.constant 0 : i32
        %dma_start3A_265 = tpu.memref_slice %arg19[%dma_start3A_263, %dma_start3A_264] : memref<10240x128xf32, #tpu.memory_space<vmem_shared>> -> memref<10240x128xf32, #tpu.memory_space<vmem_shared>>
        tpu.enqueue_indirect_dma source(%arg17 : memref<128x128xf32, #tpu.memory_space<vmem>>) target(%dma_start3A_265 : memref<10240x128xf32, #tpu.memory_space<vmem_shared>>) offsets(%arg15 : memref<128xi32, #tpu.memory_space<vmem>>) semaphore(%run_scoped3A : memref<!tpu.dma_semaphore, #tpu.memory_space<semaphore_mem>>) {add = true}
        %dma_wait3A_266 = arith.constant 0 : i32
        %dma_wait3A_267 = arith.constant 0 : i32
        %dma_wait3A_268 = tpu.memref_slice %arg19[%dma_wait3A_266, %dma_wait3A_267] : memref<10240x128xf32, #tpu.memory_space<vmem_shared>> -> memref<10240x128xf32, #tpu.memory_space<vmem_shared>>
        tpu.wait_indirect_dma semaphore(%run_scoped3A : memref<!tpu.dma_semaphore, #tpu.memory_space<semaphore_mem>>) src(%arg17 : memref<128x128xf32, #tpu.memory_space<vmem>>) dst(%dma_wait3A_268 : memref<10240x128xf32, #tpu.memory_space<vmem_shared>>)
        tpu.yield
      }) : () -> ()
      "tpu.region"() ({
        %run_scoped3A = tpu.sem_alloc : memref<!tpu.dma_semaphore, #tpu.memory_space<semaphore_mem>>
        %dma_start3A_263 = arith.constant 0 : i32
        %dma_start3A_264 = tpu.memref_slice %arg20[%dma_start3A_263] : memref<10240xf32, #tpu.memory_space<vmem_shared>> -> memref<10240xf32, #tpu.memory_space<vmem_shared>>
        tpu.enqueue_indirect_dma source(%arg16 : memref<128xf32, #tpu.memory_space<vmem>>) target(%dma_start3A_264 : memref<10240xf32, #tpu.memory_space<vmem_shared>>) offsets(%arg15 : memref<128xi32, #tpu.memory_space<vmem>>) semaphore(%run_scoped3A : memref<!tpu.dma_semaphore, #tpu.memory_space<semaphore_mem>>) {add = true}
        %dma_wait3A_265 = arith.constant 0 : i32
        %dma_wait3A_266 = tpu.memref_slice %arg20[%dma_wait3A_265] : memref<10240xf32, #tpu.memory_space<vmem_shared>> -> memref<10240xf32, #tpu.memory_space<vmem_shared>>
        tpu.wait_indirect_dma semaphore(%run_scoped3A : memref<!tpu.dma_semaphore, #tpu.memory_space<semaphore_mem>>) src(%arg16 : memref<128xf32, #tpu.memory_space<vmem>>) dst(%dma_wait3A_266 : memref<10240xf32, #tpu.memory_space<vmem_shared>>)
        tpu.yield
      }) : () -> ()
    }
    %scan3A_14 = arith.constant 81 : i32
    %barrier3A_15 = arith.constant 0 : index
    tpu.barrier barrier_id(%barrier3A_15)
    %mul3A_16 = arith.constant 640 : i32
    %mul3A_17 = arith.muli %arg1, %mul3A_16 : i32
    %mul3A_18 = arith.constant 640 : i32
    %mul3A_19 = arith.muli %arg1, %mul3A_18 : i32
    "tpu.region"() ({
      %run_scoped3A = tpu.sem_alloc : memref<!tpu.dma_semaphore, #tpu.memory_space<semaphore_mem>>
      %dma_start3A = arith.constant 0 : i32
      %dma_start3A_24 = tpu.memref_slice %arg10[%arg0, %mul3A_19, %dma_start3A] : memref<2x10240x128xf32, #tpu.memory_space<hbm>> -> memref<1x640x128xf32, #tpu.memory_space<hbm>>
      %dma_start3A_25 = tpu.memref_squeeze %dma_start3A_24 : memref<1x640x128xf32, #tpu.memory_space<hbm>> -> memref<640x128xf32, #tpu.memory_space<hbm>>
      %dma_start3A_26 = arith.constant 0 : i32
      %dma_start3A_27 = tpu.memref_slice %arg19[%mul3A_17, %dma_start3A_26] : memref<10240x128xf32, #tpu.memory_space<vmem_shared>> -> memref<640x128xf32, #tpu.memory_space<vmem_shared>>
      tpu.enqueue_dma source(%dma_start3A_27 : memref<640x128xf32, #tpu.memory_space<vmem_shared>>) target(%dma_start3A_25 : memref<640x128xf32, #tpu.memory_space<hbm>>) target_semaphore(%run_scoped3A : memref<!tpu.dma_semaphore, #tpu.memory_space<semaphore_mem>>)
      %dma_wait3A = arith.constant 0 : i32
      %dma_wait3A_28 = tpu.memref_slice %arg10[%arg0, %mul3A_19, %dma_wait3A] : memref<2x10240x128xf32, #tpu.memory_space<hbm>> -> memref<1x640x128xf32, #tpu.memory_space<hbm>>
      %dma_wait3A_29 = tpu.memref_squeeze %dma_wait3A_28 : memref<1x640x128xf32, #tpu.memory_space<hbm>> -> memref<640x128xf32, #tpu.memory_space<hbm>>
      %dma_wait3A_30 = arith.constant 0 : i32
      %dma_wait3A_31 = tpu.memref_slice %arg19[%mul3A_17, %dma_wait3A_30] : memref<10240x128xf32, #tpu.memory_space<vmem_shared>> -> memref<640x128xf32, #tpu.memory_space<vmem_shared>>
      tpu.wait_dma2 semaphore(%run_scoped3A : memref<!tpu.dma_semaphore, #tpu.memory_space<semaphore_mem>>) src(%dma_wait3A_31 : memref<640x128xf32, #tpu.memory_space<vmem_shared>>) dst(%dma_wait3A_29 : memref<640x128xf32, #tpu.memory_space<hbm>>)
      tpu.yield
    }) : () -> ()
    %mul3A_20 = arith.constant 640 : i32
    %mul3A_21 = arith.muli %arg1, %mul3A_20 : i32
    %mul3A_22 = arith.constant 640 : i32
    %mul3A_23 = arith.muli %arg1, %mul3A_22 : i32
    "tpu.region"() ({
      %run_scoped3A = tpu.sem_alloc : memref<!tpu.dma_semaphore, #tpu.memory_space<semaphore_mem>>
      %dma_start3A = tpu.memref_slice %arg11[%arg0, %mul3A_23] : memref<2x10240xf32, #tpu.memory_space<hbm>> -> memref<1x640xf32, #tpu.memory_space<hbm>>
      %dma_start3A_24 = tpu.memref_squeeze %dma_start3A : memref<1x640xf32, #tpu.memory_space<hbm>> -> memref<640xf32, #tpu.memory_space<hbm>>
      %dma_start3A_25 = tpu.memref_slice %arg20[%mul3A_21] : memref<10240xf32, #tpu.memory_space<vmem_shared>> -> memref<640xf32, #tpu.memory_space<vmem_shared>>
      tpu.enqueue_dma source(%dma_start3A_25 : memref<640xf32, #tpu.memory_space<vmem_shared>>) target(%dma_start3A_24 : memref<640xf32, #tpu.memory_space<hbm>>) target_semaphore(%run_scoped3A : memref<!tpu.dma_semaphore, #tpu.memory_space<semaphore_mem>>)
      %dma_wait3A = tpu.memref_slice %arg11[%arg0, %mul3A_23] : memref<2x10240xf32, #tpu.memory_space<hbm>> -> memref<1x640xf32, #tpu.memory_space<hbm>>
      %dma_wait3A_26 = tpu.memref_squeeze %dma_wait3A : memref<1x640xf32, #tpu.memory_space<hbm>> -> memref<640xf32, #tpu.memory_space<hbm>>
      %dma_wait3A_27 = tpu.memref_slice %arg20[%mul3A_21] : memref<10240xf32, #tpu.memory_space<vmem_shared>> -> memref<640xf32, #tpu.memory_space<vmem_shared>>
      tpu.wait_dma2 semaphore(%run_scoped3A : memref<!tpu.dma_semaphore, #tpu.memory_space<semaphore_mem>>) src(%dma_wait3A_27 : memref<640xf32, #tpu.memory_space<vmem_shared>>) dst(%dma_wait3A_26 : memref<640xf32, #tpu.memory_space<hbm>>)
      tpu.yield
    }) : () -> ()
    return
  }
}

module attributes {stable_mosaic.version = 14 : i64} {
  func.func @_prep_body(%arg0: memref<10000x128xf32, #tpu.memory_space<vmem>>, %arg1: memref<128x128xf32, #tpu.memory_space<vmem>>, %arg2: memref<1x128xf32, #tpu.memory_space<vmem>>, %arg3: memref<1x128xf32, #tpu.memory_space<vmem>>, %arg4: memref<10000x128xf32, #tpu.memory_space<vmem>>, %arg5: memref<10000x1xf32, #tpu.memory_space<vmem>>, %arg6: memref<10000x1xf32, #tpu.memory_space<vmem>>, %arg7: memref<1x1xf32, #tpu.memory_space<vmem>>) attributes {dimension_semantics = [], scalar_prefetch = 0 : i64, scratch_operands = 0 : i64, tpu.core_type = #tpu.core_type<tc>} {
    %get3A = arith.constant 0 : index
    %get3A_0 = arith.constant 0 : index
    %get3A_1 = vector.load %arg0[%get3A, %get3A_0] : memref<10000x128xf32, #tpu.memory_space<vmem>>, vector<10000x128xf32>
    %get3A_2 = arith.constant 0 : index
    %get3A_3 = arith.constant 0 : index
    %get3A_4 = vector.load %arg1[%get3A_2, %get3A_3] : memref<128x128xf32, #tpu.memory_space<vmem>>, vector<128x128xf32>
    %dot_general3A = arith.constant dense<0.000000e+00> : vector<10000x128xf32>
    %dot_general3A_5 = tpu.matmul %get3A_1, %get3A_4, %dot_general3A {dimension_numbers = #tpu.dot_dimension_numbers<[1], [0], [0], [1], [0, 0, 1, 1], [], []>, transpose_lhs_hint = false} : vector<10000x128xf32>, vector<128x128xf32>, vector<10000x128xf32> -> vector<10000x128xf32>
    %swap3A = arith.constant 0 : index
    %swap3A_6 = arith.constant 0 : index
    %swap3A_7 = vector.load %arg4[%swap3A, %swap3A_6] : memref<10000x128xf32, #tpu.memory_space<vmem>>, vector<10000x128xf32>
    tpu.vector_store %arg4[%swap3A, %swap3A_6], %dot_general3A_5 {strides = array<i32>} : memref<10000x128xf32, #tpu.memory_space<vmem>>, vector<10000x128xf32>,
    %get3A_8 = arith.constant 0 : index
    %get3A_9 = arith.constant 0 : index
    %get3A_10 = vector.load %arg2[%get3A_8, %get3A_9] : memref<1x128xf32, #tpu.memory_space<vmem>>, vector<1x128xf32>
    %mul3A = vector.broadcast %get3A_10 : vector<1x128xf32> to vector<10000x128xf32>
    %mul3A_11 = arith.mulf %dot_general3A_5, %mul3A : vector<10000x128xf32>
    %reduce_sum3A = arith.constant dense<0.000000e+00> : vector<10000xf32>
    %reduce_sum3A_12 = vector.multi_reduction <add>, %mul3A_11, %reduce_sum3A [1] : vector<10000x128xf32> to vector<10000xf32>
    %broadcast_in_dim3A = vector.shape_cast %reduce_sum3A_12 : vector<10000xf32> to vector<10000x1xf32>
    %get3A_13 = arith.constant 0 : index
    %get3A_14 = arith.constant 0 : index
    %get3A_15 = vector.load %arg3[%get3A_13, %get3A_14] : memref<1x128xf32, #tpu.memory_space<vmem>>, vector<1x128xf32>
    %mul3A_16 = vector.broadcast %get3A_15 : vector<1x128xf32> to vector<10000x128xf32>
    %mul3A_17 = arith.mulf %dot_general3A_5, %mul3A_16 : vector<10000x128xf32>
    %reduce_sum3A_18 = arith.constant dense<0.000000e+00> : vector<10000xf32>
    %reduce_sum3A_19 = vector.multi_reduction <add>, %mul3A_17, %reduce_sum3A_18 [1] : vector<10000x128xf32> to vector<10000xf32>
    %broadcast_in_dim3A_20 = vector.shape_cast %reduce_sum3A_19 : vector<10000xf32> to vector<10000x1xf32>
    %swap3A_21 = arith.constant 0 : index
    %swap3A_22 = arith.constant 0 : index
    %swap3A_23 = vector.load %arg5[%swap3A_21, %swap3A_22] : memref<10000x1xf32, #tpu.memory_space<vmem>>, vector<10000x1xf32>
    tpu.vector_store %arg5[%swap3A_21, %swap3A_22], %broadcast_in_dim3A {strides = array<i32>} : memref<10000x1xf32, #tpu.memory_space<vmem>>, vector<10000x1xf32>,
    %swap3A_24 = arith.constant 0 : index
    %swap3A_25 = arith.constant 0 : index
    %swap3A_26 = vector.load %arg6[%swap3A_24, %swap3A_25] : memref<10000x1xf32, #tpu.memory_space<vmem>>, vector<10000x1xf32>
    tpu.vector_store %arg6[%swap3A_24, %swap3A_25], %broadcast_in_dim3A_20 {strides = array<i32>} : memref<10000x1xf32, #tpu.memory_space<vmem>>, vector<10000x1xf32>,
    %reduce_max3A = vector.shape_cast %broadcast_in_dim3A : vector<10000x1xf32> to vector<1x10000x1xf32>
    %reduce_max3A_27 = arith.constant dense<0xFF800000> : vector<1xf32>
    %reduce_max3A_28 = vector.multi_reduction <maximumf>, %reduce_max3A, %reduce_max3A_27 [1, 2] : vector<1x10000x1xf32> to vector<1xf32>
    %reduce_max3A_29 = vector.shape_cast %reduce_max3A_28 : vector<1xf32> to vector<1x1x1xf32>
    %reduce_max3A_30 = vector.extract %reduce_max3A_29[0, 0, 0] : f32 from vector<1x1x1xf32>
    %reduce_max3A_31 = vector.shape_cast %broadcast_in_dim3A_20 : vector<10000x1xf32> to vector<1x10000x1xf32>
    %reduce_max3A_32 = arith.constant dense<0xFF800000> : vector<1xf32>
    %reduce_max3A_33 = vector.multi_reduction <maximumf>, %reduce_max3A_31, %reduce_max3A_32 [1, 2] : vector<1x10000x1xf32> to vector<1xf32>
    %reduce_max3A_34 = vector.shape_cast %reduce_max3A_33 : vector<1xf32> to vector<1x1x1xf32>
    %reduce_max3A_35 = vector.extract %reduce_max3A_34[0, 0, 0] : f32 from vector<1x1x1xf32>
    %add3A = arith.addf %reduce_max3A_30, %reduce_max3A_35 : f32
    %ge3A = arith.constant 0.000000e+00 : f32
    %ge3A_36 = arith.cmpf oge, %add3A, %ge3A : f32
    %mul3A_37 = arith.constant 2.000000e-01 : f32
    %mul3A_38 = arith.mulf %mul3A_37, %add3A : f32
    %select_n3A = arith.select %ge3A_36, %add3A, %mul3A_38 : f32
    %broadcast_in_dim3A_39 = vector.broadcast %select_n3A : f32 to vector<1x1xf32>
    %swap3A_40 = arith.constant 0 : index
    %swap3A_41 = arith.constant 0 : index
    %swap3A_42 = vector.load %arg7[%swap3A_40, %swap3A_41] : memref<1x1xf32, #tpu.memory_space<vmem>>, vector<1x1xf32>
    tpu.vector_store %arg7[%swap3A_40, %swap3A_41], %broadcast_in_dim3A_39 {strides = array<i32>} : memref<1x1xf32, #tpu.memory_space<vmem>>, vector<1x1xf32>,
    return
  }
}

module attributes {stable_mosaic.version = 14 : i64} {
  func.func @_post_body(%arg0: memref<2x10240x128xf32, #tpu.memory_space<vmem>>, %arg1: memref<2x10240x1xf32, #tpu.memory_space<vmem>>, %arg2: memref<1x128xf32, #tpu.memory_space<vmem>>, %arg3: memref<1x128xf32, #tpu.memory_space<vmem>>, %arg4: memref<1x128xf32, #tpu.memory_space<vmem>>, %arg5: memref<10000x128xf32, #tpu.memory_space<vmem>>) attributes {dimension_semantics = [], scalar_prefetch = 0 : i64, scratch_operands = 0 : i64, tpu.core_type = #tpu.core_type<tc>} {
    %get3A = arith.constant 0 : index
    %get3A_0 = arith.constant 0 : index
    %get3A_1 = arith.constant 0 : index
    %get3A_2 = vector.load %arg0[%get3A, %get3A_0, %get3A_1] : memref<2x10240x128xf32, #tpu.memory_space<vmem>>, vector<1x10000x128xf32>
    %get3A_3 = vector.shape_cast %get3A_2 : vector<1x10000x128xf32> to vector<10000x128xf32>
    %get3A_4 = arith.constant 1 : index
    %get3A_5 = arith.constant 0 : index
    %get3A_6 = arith.constant 0 : index
    %get3A_7 = vector.load %arg0[%get3A_4, %get3A_5, %get3A_6] : memref<2x10240x128xf32, #tpu.memory_space<vmem>>, vector<1x10000x128xf32>
    %get3A_8 = vector.shape_cast %get3A_7 : vector<1x10000x128xf32> to vector<10000x128xf32>
    %add3A = arith.addf %get3A_3, %get3A_8 : vector<10000x128xf32>
    %get3A_9 = arith.constant 0 : index
    %get3A_10 = arith.constant 0 : index
    %get3A_11 = arith.constant 0 : index
    %get3A_12 = vector.load %arg1[%get3A_9, %get3A_10, %get3A_11] : memref<2x10240x1xf32, #tpu.memory_space<vmem>>, vector<1x10000x1xf32>
    %get3A_13 = vector.shape_cast %get3A_12 : vector<1x10000x1xf32> to vector<10000x1xf32>
    %get3A_14 = arith.constant 1 : index
    %get3A_15 = arith.constant 0 : index
    %get3A_16 = arith.constant 0 : index
    %get3A_17 = vector.load %arg1[%get3A_14, %get3A_15, %get3A_16] : memref<2x10240x1xf32, #tpu.memory_space<vmem>>, vector<1x10000x1xf32>
    %get3A_18 = vector.shape_cast %get3A_17 : vector<1x10000x1xf32> to vector<10000x1xf32>
    %add3A_19 = arith.addf %get3A_13, %get3A_18 : vector<10000x1xf32>
    %add3A_20 = arith.constant 1.000000e-16 : f32
    %add3A_21 = vector.broadcast %add3A_20 : f32 to vector<10000x1xf32>
    %add3A_22 = arith.addf %add3A_19, %add3A_21 : vector<10000x1xf32>
    %div3A = vector.broadcast %add3A_22 : vector<10000x1xf32> to vector<10000x128xf32>
    %div3A_23 = arith.divf %add3A, %div3A : vector<10000x128xf32>
    %get3A_24 = arith.constant 0 : index
    %get3A_25 = arith.constant 0 : index
    %get3A_26 = vector.load %arg2[%get3A_24, %get3A_25] : memref<1x128xf32, #tpu.memory_space<vmem>>, vector<1x128xf32>
    %add3A_27 = vector.broadcast %get3A_26 : vector<1x128xf32> to vector<10000x128xf32>
    %add3A_28 = arith.addf %div3A_23, %add3A_27 : vector<10000x128xf32>
    %reduce_sum3A = arith.constant dense<0.000000e+00> : vector<128xf32>
    %reduce_sum3A_29 = vector.multi_reduction <add>, %add3A_28, %reduce_sum3A [0] : vector<10000x128xf32> to vector<128xf32>
    %broadcast_in_dim3A = vector.shape_cast %reduce_sum3A_29 : vector<128xf32> to vector<1x128xf32>
    %div3A_30 = arith.constant 1.000000e+04 : f32
    %div3A_31 = vector.broadcast %div3A_30 : f32 to vector<1x128xf32>
    %div3A_32 = arith.divf %broadcast_in_dim3A, %div3A_31 : vector<1x128xf32>
    %sub3A = vector.broadcast %div3A_32 : vector<1x128xf32> to vector<10000x128xf32>
    %sub3A_33 = arith.subf %add3A_28, %sub3A : vector<10000x128xf32>
    %integer_pow3A = arith.mulf %sub3A_33, %sub3A_33 : vector<10000x128xf32>
    %reduce_sum3A_34 = arith.constant dense<0.000000e+00> : vector<128xf32>
    %reduce_sum3A_35 = vector.multi_reduction <add>, %integer_pow3A, %reduce_sum3A_34 [0] : vector<10000x128xf32> to vector<128xf32>
    %broadcast_in_dim3A_36 = vector.shape_cast %reduce_sum3A_35 : vector<128xf32> to vector<1x128xf32>
    %div3A_37 = arith.constant 1.000000e+04 : f32
    %div3A_38 = vector.broadcast %div3A_37 : f32 to vector<1x128xf32>
    %div3A_39 = arith.divf %broadcast_in_dim3A_36, %div3A_38 : vector<1x128xf32>
    %sub3A_40 = vector.broadcast %div3A_32 : vector<1x128xf32> to vector<10000x128xf32>
    %sub3A_41 = arith.subf %add3A_28, %sub3A_40 : vector<10000x128xf32>
    %add3A_42 = arith.constant 9.99999974E-6 : f32
    %add3A_43 = vector.broadcast %add3A_42 : f32 to vector<1x128xf32>
    %add3A_44 = arith.addf %div3A_39, %add3A_43 : vector<1x128xf32>
    %sqrt3A = math.sqrt %add3A_44 : vector<1x128xf32>
    %div3A_45 = vector.broadcast %sqrt3A : vector<1x128xf32> to vector<10000x128xf32>
    %div3A_46 = arith.divf %sub3A_41, %div3A_45 : vector<10000x128xf32>
    %get3A_47 = arith.constant 0 : index
    %get3A_48 = arith.constant 0 : index
    %get3A_49 = vector.load %arg3[%get3A_47, %get3A_48] : memref<1x128xf32, #tpu.memory_space<vmem>>, vector<1x128xf32>
    %mul3A = vector.broadcast %get3A_49 : vector<1x128xf32> to vector<10000x128xf32>
    %mul3A_50 = arith.mulf %div3A_46, %mul3A : vector<10000x128xf32>
    %get3A_51 = arith.constant 0 : index
    %get3A_52 = arith.constant 0 : index
    %get3A_53 = vector.load %arg4[%get3A_51, %get3A_52] : memref<1x128xf32, #tpu.memory_space<vmem>>, vector<1x128xf32>
    %add3A_54 = vector.broadcast %get3A_53 : vector<1x128xf32> to vector<10000x128xf32>
    %add3A_55 = arith.addf %mul3A_50, %add3A_54 : vector<10000x128xf32>
    %max3A = arith.constant 0.000000e+00 : f32
    %max3A_56 = vector.broadcast %max3A : f32 to vector<10000x128xf32>
    %max3A_57 = arith.maximumf %add3A_55, %max3A_56 : vector<10000x128xf32>
    %swap3A = arith.constant 0 : index
    %swap3A_58 = arith.constant 0 : index
    %swap3A_59 = vector.load %arg5[%swap3A, %swap3A_58] : memref<10000x128xf32, #tpu.memory_space<vmem>>, vector<10000x128xf32>
    tpu.vector_store %arg5[%swap3A, %swap3A_58], %max3A_57 {strides = array<i32>} : memref<10000x128xf32, #tpu.memory_space<vmem>>, vector<10000x128xf32>,
    return
  }
}

</mosaic_0001>

<sc_bundles>
// kernel: kernel.5.cloned.1.call-start
scs
__scs_entry_jumppad:
0x0: {  	(pc) =	sbr.rel $0x88, $3  }
0x1: {  	(tag) =	ssettag $0x0;
	lr =	simm.s32 $0x1  }
0x2: {  	[smem:$0x3F99] =	sst lr;
	_ =	strace $0xD0000000  }
0x3: {  	_ = 	snop  }
0x4: {  	_ = 	snop  }
0x5: {  	_ = 	snop  }
0x6: {  	_ = 	snop  }
0x7: {  	_ = 	snop  }
__scs_overlays_trampoline_lowered:
0x8: {  	[smem:$0x3FA8] =	sst s0  }
0x9: {  	[smem:$0x3FA9] =	sst s1  }
0xa: {  	[smem:$0x3FAA] =	sst s2  }
0xb: {  	[smem:$0x3FAB] =	sst s3  }
0xc: {  	[smem:$0x3FAC] =	sst s4  }
0xd: {  	[smem:$0x3FAD] =	sst s5  }
0xe: {  	[smem:$0x3FAE] =	sst s6  }
0xf: {  	[smem:$0x3FAF] =	sst s7  }
0x10: {  	[smem:$0x3FB0] =	sst s8  }
0x11: {  	[smem:$0x3FB1] =	sst s9;
	s0 =	simm.s32 @!p0 $0x0  }
0x12: {  	s1 =	sld [smem:$0x3F97];
	s0 =	simm.s32 @p0 $0x1  }
0x13: {  	[smem:$0x3FB2] =	sst s0;
	s0 =	simm.s32 @!p1 $0x0  }
0x14: {  	s2 =	sld [smem:$0x3F96];
	s0 =	simm.s32 @p1 $0x1  }
0x15: {  	[smem:$0x3FB3] =	sst s0;
	s0 =	simm.s32 @!p2 $0x0  }
0x16: {  	s3 =	sld [smem:$0x3FDB];
	s0 =	simm.s32 @p2 $0x1  }
0x17: {  	s4 =	simm.s32 $0x1BF5;
	[smem:$0x3FB5] =	sst s0  }
0x18: {  	s0 =	sld [smem:$0x3F98];
	_ =	swait.ge [sflag:s4], $0x0  }
0x19: {  	s7 =	sld [smem:$0x3F99]  }
0x1a: {  	s8 =	sadd.s32 $0xFFFFE003, lr  }
0x1b: {  	s9 =	sadd.s32 $0xFFFFFEF7, lr;
	s5 =	simm.s32 $0xFFFFFFFF;
	p2 =	slt.u32 s8, $0xFFFFF086  }
0x1c: {  	p1 =	slt.u32 s9, $0xF7A;
	s5 =	simm.s32 @!p2 $0x0  }
0x1d: {  	s5 =	simm.s32 @p1 $0x1;
	p0 =	seq.s32 s7, s2  }
0x1e: {  	s7 =	smul.u32 @!p0 $0xF7A, s2;
	p2 =	seq.s32 @!p0 s5, $0x0  }
0x1f: {  	s9 =	smul.u32 $0xF7A, s1;
	s8 =	simm.s32 @!p0 $0x1BF5;
	p2 =	por !p2, p0  }
0x20: {  	[sflag:s8] =	ssyncset.s32 @!p0 $0xFFFFF086;
	s6 =	sadd.s32 @!p0 s3, s7;
	s7 =	simm.s32 @!p0 $0x108  }
0x21: {  	s3 =	sadd.s32 s3, s9;
	s6 =	sadd.s32 @!p0 $0x88, s6;
	s7 =	simm.s32 @p2 $0x1082  }
0x22: {  	[simem:s7], [sflag:s8] =	dma.local @!p0 [hbm:s6], $0xF7A  }
0x23: {  	s9 =	sor.u32 $0xD0000000, s2;
	s6 =	simm.s32 $0x108;
	_ =	swait.ge @!p0 [sflag:s8], $0x0  }
0x24: {  	s3 =	sadd.s32 $0x88, s3;
	s6 =	simm.s32 @!p1 $0x1082;
	[sflag:s4] =	ssyncset.s32 $0xFFFFF086  }
0x25: {  	[simem:s6], [sflag:s4] =	dma.local [hbm:s3], $0xF7A  }
0x26: {  	[smem:$0x3F99] =	sst s1;
	(tag) =	ssettag s2;
	_ =	strace s9  }
0x27: {  	s1 =	sld [smem:$0x3FA9]  }
0x28: {  	s2 =	sld [smem:$0x3FAA]  }
0x29: {  	s4 =	sld [smem:$0x3FAC]  }
0x2a: {  	p0 =	seq.s32 s5, $0x0;
	s5 =	sld [smem:$0x3FAD]  }
0x2b: {  	s6 =	sld [smem:$0x3FAE]  }
0x2c: {  	s7 =	sld [smem:$0x3FAF]  }
0x2d: {  	s3 =	simm.s32 $0x108;
	s8 =	sld [smem:$0x3FB0]  }
0x2e: {  	s3 =	simm.s32 @!p0 $0x1082;
	s9 =	sld [smem:$0x3FB1]  }
0x2f: {  	lr =	sadd.s32 s0, s3;
	s0 =	sld [smem:$0x3FA8]  }
0x30: {  	s3 =	sld [smem:$0x3FAB]  }
0x31: {  	[smem:$0x3FB4] =	sst s10  }
0x32: {  	s10 =	sld [smem:$0x3FB2];
	_ =	sdelay $0x3  }
0x33: {  	p0 =	seq.s32 s10, $0x1;
	s10 =	sld [smem:$0x3FB4];
	_ =	sdelay $0x3  }
0x34: {  	[smem:$0x3FB4] =	sst s10  }
0x35: {  	s10 =	sld [smem:$0x3FB3];
	_ =	sdelay $0x3  }
0x36: {  	p1 =	seq.s32 s10, $0x1;
	s10 =	sld [smem:$0x3FB4];
	_ =	sdelay $0x3  }
0x37: {  	[smem:$0x3FB4] =	sst s10  }
0x38: {  	s10 =	sld [smem:$0x3FB5]  }
0x39: {  	_ = 	snop;
	(pc) =	sbr.ind lr, $3  }
0x3a: {  	_ = 	snop  }
0x3b: {  	_ = 	snop  }
0x3c: {  	p2 =	seq.s32 s10, $0x1;
	s10 =	sld [smem:$0x3FB4]  }
0x3d: {  	_ =	shalt  }
0x3e: {  	_ =	shalt  }
0x3f: {  	_ =	shalt  }
0x40: {  	_ =	shalt  }
0x41: {  	_ =	shalt  }
0x42: {  	_ =	shalt  }
0x43: {  	_ =	shalt  }
0x44: {  	_ =	shalt  }
0x45: {  	_ =	shalt  }
0x46: {  	_ =	shalt  }
0x47: {  	_ =	shalt  }
0x48: {  	_ =	shalt  }
0x49: {  	_ =	shalt  }
0x4a: {  	_ =	shalt  }
0x4b: {  	_ =	shalt  }
0x4c: {  	_ =	shalt  }
0x4d: {  	_ =	shalt  }
0x4e: {  	_ =	shalt  }
0x4f: {  	_ =	shalt  }
0x50: {  	_ =	shalt  }
0x51: {  	_ =	shalt  }
0x52: {  	_ =	shalt  }
0x53: {  	_ =	shalt  }
0x54: {  	_ =	shalt  }
0x55: {  	_ =	shalt  }
0x56: {  	_ =	shalt  }
0x57: {  	_ =	shalt  }
0x58: {  	_ =	shalt  }
0x59: {  	_ =	shalt  }
0x5a: {  	_ =	shalt  }
0x5b: {  	_ =	shalt  }
0x5c: {  	_ =	shalt  }
0x5d: {  	_ =	shalt  }
0x5e: {  	_ =	shalt  }
0x5f: {  	_ =	shalt  }
0x60: {  	_ =	shalt  }
0x61: {  	_ =	shalt  }
0x62: {  	_ =	shalt  }
0x63: {  	_ =	shalt  }
0x64: {  	_ =	shalt  }
0x65: {  	_ =	shalt  }
0x66: {  	_ =	shalt  }
0x67: {  	_ =	shalt  }
0x68: {  	_ =	shalt  }
0x69: {  	_ =	shalt  }
0x6a: {  	_ =	shalt  }
0x6b: {  	_ =	shalt  }
0x6c: {  	_ =	shalt  }
0x6d: {  	_ =	shalt  }
0x6e: {  	_ =	shalt  }
0x6f: {  	_ =	shalt  }
0x70: {  	_ =	shalt  }
0x71: {  	_ =	shalt  }
0x72: {  	_ =	shalt  }
0x73: {  	_ =	shalt  }
0x74: {  	_ =	shalt  }
0x75: {  	_ =	shalt  }
0x76: {  	_ =	shalt  }
0x77: {  	_ =	shalt  }
0x78: {  	_ =	shalt  }
0x79: {  	_ =	shalt  }
0x7a: {  	_ =	shalt  }
0x7b: {  	_ =	shalt  }
0x7c: {  	_ =	shalt  }
0x7d: {  	_ =	shalt  }
0x7e: {  	_ =	shalt  }
0x7f: {  	_ =	shalt  }
0x80: {  	_ =	shalt  }
0x81: {  	_ =	shalt  }
0x82: {  	_ =	shalt  }
0x83: {  	_ =	shalt  }
0x84: {  	_ =	shalt  }
0x85: {  	_ =	shalt  }
0x86: {  	_ =	shalt  }
0x87: {  	_ =	shalt  }
.Lfunc_end0:
.L_simem_size_0:
called_computation_lowered:
.L_overlay_start_0:
0x88: {  	s2 =	sld [smem:$0x3FD9]  }
0x89: {  	s3 =	sld [smem:$0x3FFE];
	_ =	sdelay $0x1  }
0x8a: {  	s1 =	srdreg.scid  }
0x8b: {  	s0 =	sand.u32 $0x1, s1  }
0x8c: {  	s17 =	sshll.u32 s0, $0xA;
	s2 =	sadd.s32 s3, s2  }
0x8d: {  	s2 =	sadd.s32 s2, s17  }
0x8e: {  	[smem:$0x3FC0] =	sst s2  }
0x8f: {  	_ = 	snop  }
0x90: {  	s2 =	sld [smem:$0x3FD0];
	(tm) =	ssettm $0x1  }
0x91: {  	s18 =	sld [smem:$0x3FFB];
	_ =	sdelay $0x3  }
0x92: {  	_ =	strace s18  }
0x93: {  	s3 =	sld [smem:$0x3FFC];
	_ =	sdelay $0x3  }
0x94: {  	_ =	strace s3  }
0x95: {  	s3 =	sld [smem:$0x3FFD];
	_ =	sdelay $0x3  }
0x96: {  	_ =	strace s3  }
0x97: {  	_ =	strace $0x8FFFFFFF  }
0x98: {  	s19 =	sld [smem:$0x3FDB];
	_ =	sdelay $0x1  }
0x99: {  	s4 =	simm.s32 $_scs_section_size  }
0x9a: {  	s5 =	simm.s32 $_size__tile_overlayer_lowered;
	s6 =	simm.s32 $_tile_overlayer_lowered  }
0x9b: {  	s22 =	simm.s32 $0x1BFF;
	s21 =	sshll.u32 s6, $0x1;
	s3 =	sadd.s32 s4, s19  }
0x9c: {  	s7 =	simm.s32 $0x0;
	s20 =	sshll.u32 s5, $0x1;
	s5 =	sadd.s32 s21, s3  }
0x9d: {  	[timem:s7], [sflag:s22] =	dma.local [hbm:s5], s20  }
0x9e: {  	_ =	swait.ge [sflag:s22], s20  }
0x9f: {  	s4 =	ssub.s32 $0x0, s20;
	[sflag:s22] =	ssyncset.done $0x0  }
0xa0: {  	[sflag:s22] =	ssyncadd.s32 s4;
	_ =	sdelay $0x1  }
0xa1: {  	s23 =	simm.s32 $0x1B8B  }
0xa2: {  	_ =	swait.ge [sflag:s23], $0x1  }
0xa3: {  	[sflag:s23] =	ssyncset.done $0x0  }
0xa4: {  	s25 =	simm.s32 $0x1B8E;
	s24 =	sld [smem:$0x3FFE];
	[sflag:s23] =	ssyncadd.s32 $0xFFFFFFFF  }
0xa5: {  	s26 =	simm.s32 $execute0_lowered;
	[smem:$0x3FD2] =	sst s25  }
0xa6: {  	s5 =	sshll.u32 s26, $0x1;
	_ =	strace $0x80000046;
	[dreg:$0x1] =	wrdreg $0xFFFFFFFF  }
0xa7: {  	s28 =	simm.s32 $_size_execute0_lowered;
	s3 =	sadd.s32 s3, s5;
	[dreg:$0x0] =	wrdreg $0x0  }
0xa8: {  	s5 =	sshll.u32 s28, $0x1;
	[dreg:$0x2] =	wrdreg s3  }
0xa9: {  	[dreg:$0x3] =	wrdreg s5  }
0xaa: {  	[dreg:$0x4] =	wrdreg $0xC0  }
0xab: {  	_ =	task [dreg:s7], $0x5FFFF  }
0xac: {  	[dreg:$0x1] =	wrdreg $0xFFFFFFFF  }
0xad: {  	[dreg:$0x0] =	wrdreg $0x60  }
0xae: {  	[dreg:$0x2] =	wrdreg s2  }
0xaf: {  	[dreg:$0x3] =	wrdreg s24  }
0xb0: {  	[dreg:$0x4] =	wrdreg $0x8FB00  }
0xb1: {  	[dreg:$0x5] =	wrdreg $0x1CFB00  }
0xb2: {  	[dreg:$0x6] =	wrdreg $0x9  }
0xb3: {  	_ =	task.clear_ibuf [dreg:s7], $0x7FFFF;
	_ =	strace $0x90000046  }
0xb4: {  	s29 =	simm.s32 $0x9;
	_ =	strace $0x80000048  }
0xb5: {  	_ =	swait.ge [sflag:s29], $0x1  }
0xb6: {  	[sflag:s29] =	ssyncadd.s32 $0xFFFFFFFF  }
0xb7: {  	_ =	strace $0x90000048  }
0xb8: {  	_ =	sfence  }
0xb9: {  	s30 =	sld [smem:$0x0];
	_ =	sdelay $0x2  }
0xba: {  	s31 =	sshll.u32 s1, $0xD;
	s1 =	sshrl.u32 s1, $0x2  }
0xbb: {  	s3 =	sand.u32 $0x4000, s31;
	s1 =	sadd.s32 s1, s30  }
0xbc: {  	s0 =	sor.u32 s3, s0;
	s1 =	sshll.u32 s1, $0x11  }
0xbd: {  	s0 =	sor.u32 s1, s0  }
0xbe: {  	s0 =	sadd.s32 $0x8F2B, s0  }
0xbf: {  	[sflag:s0] =	ssyncadd.remote.s32 $0x1  }
0xc0: {  	_ =	sfence.sel $0xFFFF  }
0xc1: {  	[dreg:$0x0] =	wrdreg $0xFFFFFFFF;
	(pc) =	sbr.abs _section_cstart, $3  }
0xc2: {  	[dreg:$0x1] =	wrdreg $0xFFFFFFFF  }
0xc3: {  	_ =	task.clear_ibuf [dreg:s7], $0x2FFFF;
	_ =	strace $0x9FFFFFFF  }
0xc4: {  	(tm) =	ssettm $0x7FFFFFFF  }
0xc5: {  	_ =	shalt  }
tec
execute0_lowered:
.L_overlay_start_1:
0x0: {  	(tag) =	ssettag $0x1  }
0x1: {  	s1 =	rddreg [dreg:$0x0]  }
0x2: {  	s0 =	rddreg [dreg:$0x1]  }
0x3: {  	s2 =	rddreg [dreg:$0x2]  }
0x4: {  	s3 =	rddreg [dreg:$0x3];
	s5 =	simm.s32 $0x0  }
0x5: {  	s18 =	stileid.u32;
	s6 =	srdreg.scid;
	s19 =	simm.s32 $0x2  }
0x6: {  	s21 =	simm.s32 $0x2710;
	s28 =	simm.s32 $0x1;
	s29 =	simm.s32 $0x4F20  }
0x7: {  	s30 =	simm.s32 $0x0;
	[smem:$0x7FF] =	sst s5;
	s23 =	smul.u32 $0x14000, s18  }
0x8: {  	s4 =	sadd.s32 $0x14E00, s0;
	s7 =	sadd.s32 $0x15400, s0;
	s13 =	smul.u32 $0x280, s18  }
0x9: {  	s6 =	sand.u32 $0x1, s6;
	s8 =	sadd.s32 $0xAA00, s0;
	s9 =	sadd.s32 $0x800, s0  }
0xa: {  	s10 =	sadd.s32 $0x3E000, s0;
	s31 =	sshll.u32 s18, $0x6;
	s11 =	smul.u32 $0x140000, s6  }
0xb: {  	_ =	strace $0x80000047;
	[dreg:$0x5] =	wrdreg s4;
	s14 =	smul.u32 $0x2800, s6  }
0xc: {  	s25 =	ssub.s32 $0x2, s6;
	s6 =	sshll.u32 s6, $0x4;
	s12 =	sshrl.u32 s23, $0x3  }
0xd: {  	s15 =	sshrl.u32 s13, $0x3;
	s26 =	sshrl.u32 s25, $0x1;
	s6 =	sor.u32 s18, s6  }
0xe: {  	s4 =	sadd.s32 s23, s2;
	s20 =	sadd.s32 s13, s3;
	s12 =	sadd.s32 s12, s0  }
0xf: {  	s11 =	sadd.s32 s23, s11;
	s15 =	sadd.s32 s15, s0;
	s14 =	sadd.s32 s13, s14  }
0x10: {  	s17 =	ssub.s32 s25, s26;
	s18 =	sshrl.u32 s4, $0x3;
	s20 =	sshrl.u32 s20, $0x3  }
0x11: {  	s23 =	simm.s32 $0x4E20;
	s25 =	simm.s32 $0x80;
	s26 =	simm.s32 $0x4FA0  }
0x12: {  	s11 =	sshrl.u32 s11, $0x3;
	s24 =	sshrl.u32 s14, $0x3;
	s13 =	sadd.s32 $0x15A00, s15  }
0x13: {  	s14 =	smul.u32 $0x2880, s6;
	s17 =	smax.u32 s17, $0x1;
	s16 =	sadd.s32 s11, s0  }
0x14: {  	s0 =	sadd.s32 s24, s0;
	s11 =	sadd.s32 $0x16000, s12;
	s12 =	sor.u32 $0x1C02, s31  }
0x15: {  	s24 =	simm.s32 $0x4EA0;
	s15 =	sadd.s32 $0x3EC00, s16;
	s16 =	sadd.s32 $0x3E200, s0  }
.LBB2_1:
0x16: {  	[spmem:s18], [sflag:s12] =	dma.local [hbm:s11], $0x2800  }
0x17: {  	_ =	swait.ge [sflag:s19], $0x2800  }
0x18: {  	[sflag:s19] =	ssyncset.done $0x0  }
0x19: {  	[sflag:s19] =	ssyncadd.s32 $0xFFFFD800  }
0x1a: {  	[spmem:s20], [sflag:s12] =	dma.local [hbm:s13], $0x50  }
0x1b: {  	_ =	swait.ge [sflag:s19], $0x50  }
0x1c: {  	[sflag:s19] =	ssyncset.done $0x0  }
0x1d: {  	s0 =	rddreg [dreg:$0x5];
	[sflag:s19] =	ssyncadd.s32 $0xFFFFFFB0  }
0x1e: {  	[tilespmem:s5], [sflag:$0x2] =	stream.linear.gather [hbm4b:s0+s5], $0x2710, $0x38;
	[tilespmem:$0x1D230] =	vst v63  }
0x1f: {  	_ =	swait.ge [sflag:s19], $0x2710  }
0x20: {  	[sflag:s19] =	ssyncset.done $0x0  }
0x21: {  	[sflag:s19] =	ssyncadd.s32 $0xFFFFD8F0  }
0x22: {  	[tilespmem:s21], [sflag:$0x2] =	stream.linear.gather [hbm4b:s7+s5], $0x2710, $0x38;
	[tilespmem:$0x1D230] =	vst v63  }
0x23: {  	_ =	swait.ge [sflag:s19], $0x2710  }
0x24: {  	[sflag:s19] =	ssyncset.done $0x0  }
0x25: {  	s22 =	simm.s32 $0x8FA0;
	[sflag:s19] =	ssyncadd.s32 $0xFFFFD8F0  }
0x26: {  	[tilespmem:s22], [sflag:$0x2] =	stream.linear.gather [hbm4b:s10+s5], $0x10, $0x38;
	[tilespmem:$0x1D230] =	vst v63  }
0x27: {  	_ =	swait.ge [sflag:s19], $0x10  }
0x28: {  	[sflag:s19] =	ssyncset.done $0x0  }
0x29: {  	[sflag:s19] =	ssyncadd.s32 $0xFFFFFFF0  }
0x2a: {  	[bflag:$0x0] =	sbarrier.arrive $0xFFFF  }
0x2b: {  	s31 =	simm.s32 $0x0;
	v0 =	vld [tilespmem:$0x8FA0]  }
.LBB2_2:
0x2c: {  	s0 =	sshll.u32 s31, $0x7  }
0x2d: {  	s4 =	sadd.s32 s14, s0  }
0x2e: {  	s6 =	sshrl.u32 s4, $0x3  }
0x2f: {  	s0 =	simm.s32 $0x0;
	s22 =	sadd.s32 s8, s6  }
0x30: {  	[tilespmem:s23], [sflag:$0x2] =	stream.linear.gather [hbm4b:s22+s0], $0x80, $0x38;
	[tilespmem:$0x1D230] =	vst v63  }
0x31: {  	_ =	swait.ge [sflag:s19], $0x80  }
0x32: {  	[sflag:s19] =	ssyncset.done $0x0  }
0x33: {  	s6 =	sadd.s32 s9, s6;
	[sflag:s19] =	ssyncadd.s32 $0xFFFFFF80  }
0x34: {  	[tilespmem:s24], [sflag:$0x2] =	stream.linear.gather [hbm4b:s6+s0], $0x80, $0x38;
	[tilespmem:$0x1D230] =	vst v63  }
0x35: {  	_ =	swait.ge [sflag:s19], $0x80  }
0x36: {  	[sflag:s19] =	ssyncset.done $0x0  }
0x37: {  	[sflag:s19] =	ssyncadd.s32 $0xFFFFFF80  }
0x38: {  	[tilespmem:s26], [sflag:$0x1] =	stream.indirect.gather [hbm4b:s1+s25], $0x80, s23, s25, $0xb8;
	[tilespmem:$0x1D230] =	vst v63  }
0x39: {  	v1 =	vld [tilespmem:$0x4E20]  }
0x3a: {  	v2 =	vld [tilespmem:$0x4EA0];
	_ =	sdelay $0x6  }
0x3b: {  	v1 =	vld.idx.msk [tilespmem:v1+s0+$0x0], $0xffff  }
0x3c: {  	v2 =	vld.idx.msk [tilespmem:v2+s21+$0x0], $0xffff;
	_ =	sdelay $0x4  }
0x3d: {  	v1 =	vadd.f32 v2, v1;
	_ =	sdelay $0x1  }
0x3e: {  	v2 =	vmul.f32 $2.000000030e-01, v1  }
0x3f: {  	vm0 =	vge.f32 v1, $0.0e+00  }
0x40: {  	v1 =	vsel vm0, v1, v2  }
0x41: {  	v1 =	vsub.f32 v1, v0;
	_ =	sdelay $0x1  }
0x42: {  	v1 =	vmul.f32 $1.442695020e+00, v1;
	_ =	sdelay $0x1  }
0x43: {  	(erf) = vpow2.f32 v1;
	_ =	sdelay $0x3  }
0x44: {  	v1 =	vld [tilespmem:$0x4E30]  }
0x45: {  	v2 =	vld [tilespmem:$0x4EB0];
	_ =	sdelay $0x3  }
0x46: {  	p0 =	slt.u32 s4, $0x50910;
	v3 =	vpop (erf)  }
0x47: {  	v3 =	vpsel !p0, $0x0, v3  }
0x48: {  	[tilespmem:$0x4F20] =	vst v3  }
0x49: {  	v1 =	vld.idx.msk [tilespmem:v1+s0+$0x0], $0xffff  }
0x4a: {  	v2 =	vld.idx.msk [tilespmem:v2+s21+$0x0], $0xffff;
	_ =	sdelay $0x4  }
0x4b: {  	v1 =	vadd.f32 v2, v1;
	_ =	sdelay $0x1  }
0x4c: {  	v2 =	vmul.f32 $2.000000030e-01, v1  }
0x4d: {  	vm9 =	vge.f32 v1, $0.0e+00  }
0x4e: {  	v1 =	vsel vm9, v1, v2  }
0x4f: {  	v1 =	vsub.f32 v1, v0;
	_ =	sdelay $0x1  }
0x50: {  	v1 =	vmul.f32 $1.442695020e+00, v1;
	_ =	sdelay $0x1  }
0x51: {  	(erf) = vpow2.f32 v1;
	_ =	sdelay $0x3  }
0x52: {  	v1 =	vld [tilespmem:$0x4E40]  }
0x53: {  	v2 =	vld [tilespmem:$0x4EC0];
	_ =	sdelay $0x2  }
0x54: {  	s22 =	sor.u32 $0x10, s4  }
0x55: {  	p6 =	slt.u32 s22, $0x50910;
	v3 =	vpop (erf)  }
0x56: {  	v3 =	vpsel !p6, $0x0, v3  }
0x57: {  	[tilespmem:$0x4F30] =	vst v3  }
0x58: {  	v1 =	vld.idx.msk [tilespmem:v1+s0+$0x0], $0xffff  }
0x59: {  	v2 =	vld.idx.msk [tilespmem:v2+s21+$0x0], $0xffff;
	_ =	sdelay $0x4  }
0x5a: {  	v1 =	vadd.f32 v2, v1;
	_ =	sdelay $0x1  }
0x5b: {  	v2 =	vmul.f32 $2.000000030e-01, v1  }
0x5c: {  	vm10 =	vge.f32 v1, $0.0e+00  }
0x5d: {  	v1 =	vsel vm10, v1, v2  }
0x5e: {  	v1 =	vsub.f32 v1, v0;
	_ =	sdelay $0x1  }
0x5f: {  	v1 =	vmul.f32 $1.442695020e+00, v1;
	_ =	sdelay $0x1  }
0x60: {  	(erf) = vpow2.f32 v1;
	_ =	sdelay $0x3  }
0x61: {  	v1 =	vld [tilespmem:$0x4E50]  }
0x62: {  	v2 =	vld [tilespmem:$0x4ED0];
	_ =	sdelay $0x2  }
0x63: {  	s22 =	sor.u32 $0x20, s4  }
0x64: {  	p1 =	slt.u32 s22, $0x50910;
	v3 =	vpop (erf)  }
0x65: {  	v3 =	vpsel !p1, $0x0, v3  }
0x66: {  	[tilespmem:$0x4F40] =	vst v3  }
0x67: {  	v1 =	vld.idx.msk [tilespmem:v1+s0+$0x0], $0xffff  }
0x68: {  	v2 =	vld.idx.msk [tilespmem:v2+s21+$0x0], $0xffff;
	_ =	sdelay $0x4  }
0x69: {  	v1 =	vadd.f32 v2, v1;
	_ =	sdelay $0x1  }
0x6a: {  	v2 =	vmul.f32 $2.000000030e-01, v1  }
0x6b: {  	vm11 =	vge.f32 v1, $0.0e+00  }
0x6c: {  	v1 =	vsel vm11, v1, v2  }
0x6d: {  	v1 =	vsub.f32 v1, v0;
	_ =	sdelay $0x1  }
0x6e: {  	v1 =	vmul.f32 $1.442695020e+00, v1;
	_ =	sdelay $0x1  }
0x6f: {  	(erf) = vpow2.f32 v1;
	_ =	sdelay $0x3  }
0x70: {  	v1 =	vld [tilespmem:$0x4E60]  }
0x71: {  	v2 =	vld [tilespmem:$0x4EE0];
	_ =	sdelay $0x2  }
0x72: {  	s22 =	sor.u32 $0x30, s4  }
0x73: {  	p2 =	slt.u32 s22, $0x50910;
	v3 =	vpop (erf)  }
0x74: {  	v3 =	vpsel !p2, $0x0, v3  }
0x75: {  	[tilespmem:$0x4F50] =	vst v3  }
0x76: {  	v1 =	vld.idx.msk [tilespmem:v1+s0+$0x0], $0xffff  }
0x77: {  	v2 =	vld.idx.msk [tilespmem:v2+s21+$0x0], $0xffff;
	_ =	sdelay $0x4  }
0x78: {  	v1 =	vadd.f32 v2, v1;
	_ =	sdelay $0x1  }
0x79: {  	v2 =	vmul.f32 $2.000000030e-01, v1  }
0x7a: {  	vm12 =	vge.f32 v1, $0.0e+00  }
0x7b: {  	v1 =	vsel vm12, v1, v2  }
0x7c: {  	v1 =	vsub.f32 v1, v0;
	_ =	sdelay $0x1  }
0x7d: {  	v1 =	vmul.f32 $1.442695020e+00, v1;
	_ =	sdelay $0x1  }
0x7e: {  	(erf) = vpow2.f32 v1;
	_ =	sdelay $0x3  }
0x7f: {  	v1 =	vld [tilespmem:$0x4E70]  }
0x80: {  	v2 =	vld [tilespmem:$0x4EF0];
	_ =	sdelay $0x2  }
0x81: {  	s22 =	sor.u32 $0x40, s4  }
0x82: {  	p3 =	slt.u32 s22, $0x50910;
	v3 =	vpop (erf)  }
0x83: {  	v3 =	vpsel !p3, $0x0, v3  }
0x84: {  	[tilespmem:$0x4F60] =	vst v3  }
0x85: {  	v1 =	vld.idx.msk [tilespmem:v1+s0+$0x0], $0xffff  }
0x86: {  	v2 =	vld.idx.msk [tilespmem:v2+s21+$0x0], $0xffff;
	_ =	sdelay $0x4  }
0x87: {  	v1 =	vadd.f32 v2, v1;
	_ =	sdelay $0x1  }
0x88: {  	v2 =	vmul.f32 $2.000000030e-01, v1  }
0x89: {  	vm13 =	vge.f32 v1, $0.0e+00  }
0x8a: {  	v1 =	vsel vm13, v1, v2  }
0x8b: {  	v1 =	vsub.f32 v1, v0;
	_ =	sdelay $0x1  }
0x8c: {  	v1 =	vmul.f32 $1.442695020e+00, v1;
	_ =	sdelay $0x1  }
0x8d: {  	(erf) = vpow2.f32 v1;
	_ =	sdelay $0x3  }
0x8e: {  	v1 =	vld [tilespmem:$0x4E80]  }
0x8f: {  	v2 =	vld [tilespmem:$0x4F00];
	_ =	sdelay $0x2  }
0x90: {  	s22 =	sor.u32 $0x50, s4  }
0x91: {  	p4 =	slt.u32 s22, $0x50910;
	v3 =	vpop (erf)  }
0x92: {  	v3 =	vpsel !p4, $0x0, v3  }
0x93: {  	[tilespmem:$0x4F70] =	vst v3  }
0x94: {  	v1 =	vld.idx.msk [tilespmem:v1+s0+$0x0], $0xffff  }
0x95: {  	v2 =	vld.idx.msk [tilespmem:v2+s21+$0x0], $0xffff;
	_ =	sdelay $0x4  }
0x96: {  	v1 =	vadd.f32 v2, v1;
	_ =	sdelay $0x1  }
0x97: {  	v2 =	vmul.f32 $2.000000030e-01, v1  }
0x98: {  	vm14 =	vge.f32 v1, $0.0e+00  }
0x99: {  	v1 =	vsel vm14, v1, v2  }
0x9a: {  	v1 =	vsub.f32 v1, v0;
	_ =	sdelay $0x1  }
0x9b: {  	v1 =	vmul.f32 $1.442695020e+00, v1;
	_ =	sdelay $0x1  }
0x9c: {  	(erf) = vpow2.f32 v1;
	_ =	sdelay $0x3  }
0x9d: {  	v1 =	vld [tilespmem:$0x4E90]  }
0x9e: {  	v2 =	vld [tilespmem:$0x4F10];
	_ =	sdelay $0x2  }
0x9f: {  	s22 =	sor.u32 $0x60, s4  }
0xa0: {  	p5 =	slt.u32 s22, $0x50910;
	v3 =	vpop (erf)  }
0xa1: {  	v3 =	vpsel !p5, $0x0, v3  }
0xa2: {  	[tilespmem:$0x4F80] =	vst v3  }
0xa3: {  	v1 =	vld.idx.msk [tilespmem:v1+s0+$0x0], $0xffff  }
0xa4: {  	v2 =	vld.idx.msk [tilespmem:v2+s21+$0x0], $0xffff;
	_ =	sdelay $0x4  }
0xa5: {  	v1 =	vadd.f32 v2, v1;
	_ =	sdelay $0x1  }
0xa6: {  	v2 =	vmul.f32 $2.000000030e-01, v1  }
0xa7: {  	vm15 =	vge.f32 v1, $0.0e+00  }
0xa8: {  	v1 =	vsel vm15, v1, v2  }
0xa9: {  	v1 =	vsub.f32 v1, v0;
	_ =	sdelay $0x1  }
0xaa: {  	v1 =	vmul.f32 $1.442695020e+00, v1;
	_ =	sdelay $0x1  }
0xab: {  	(erf) = vpow2.f32 v1;
	_ =	sdelay $0x7  }
0xac: {  	s4 =	sor.u32 $0x70, s4  }
0xad: {  	p6 =	slt.u32 s4, $0x50910;
	v1 =	vpop (erf)  }
0xae: {  	v1 =	vpsel !p6, $0x0, v1  }
0xaf: {  	[tilespmem:$0x4F90] =	vst v1;
	v1 =	vmov s0  }
0xb0: {  	v1 =	vand.u32 $0xFFFFFFFE, v1  }
0xb1: {  	v2 =	vbroadcast v1, $0x0;
	_ =	sdelay $0x1  }
0xb2: {  	_ =	swait.ge [sflag:s28], $0x4000  }
0xb3: {  	[sflag:s28] =	ssyncset.done $0x0  }
0xb4: {  	s0 =	simm.s32 $0x5020;
	[sflag:s28] =	ssyncadd.s32 $0xFFFFC000  }
0xb5: {  	v5 =	vld [tilespmem:s0+$0xFFFFFFF0]  }
0xb6: {  	v6 =	vld.idx.msk [tilespmem:v2+s29+$0x0], $0xffff  }
0xb7: {  	v7 =	vld [tilespmem:s0+$0xFFFFFF80]  }
0xb8: {  	v8 =	vld [tilespmem:s0+$0xFFFFFFA0]  }
0xb9: {  	v4 =	vld [tilespmem:s0+$0xFFFFFFB0]  }
0xba: {  	v3 =	vld [tilespmem:s0+$0xFFFFFFD0]  }
0xbb: {  	v10 =	vld [tilespmem:s0+$0xFFFFFF90];
	v5 =	vmul.f32 v5, v6  }
0xbc: {  	v9 =	vld [tilespmem:s0+$0xFFFFFFE0];
	v7 =	vmul.f32 v7, v6  }
0xbd: {  	v11 =	vld [tilespmem:s0+$0xFFFFFFC0];
	v8 =	vmul.f32 v8, v6;
	[tilespmem:s0+$0xFFFFFFF0] =	vst v5  }
0xbe: {  	v4 =	vmul.f32 v4, v6;
	[tilespmem:s0+$0xFFFFFF80] =	vst v7  }
0xbf: {  	s22 =	simm.s32 $0x1;
	v3 =	vmul.f32 v3, v6;
	[tilespmem:s0+$0xFFFFFFA0] =	vst v8  }
0xc0: {  	v5 =	vmul.f32 v10, v6;
	[tilespmem:s0+$0xFFFFFFB0] =	vst v4;
	v7 =	vmov s22  }
0xc1: {  	v1 =	vld [tilespmem:s0+$0x0];
	v4 =	vmul.f32 v9, v6;
	[tilespmem:s0+$0xFFFFFFD0] =	vst v3  }
0xc2: {  	v2 =	vld [tilespmem:s0+$0x10];
	v3 =	vmul.f32 v11, v6;
	[tilespmem:s0+$0xFFFFFF90] =	vst v5  }
0xc3: {  	[tilespmem:s0+$0xFFFFFFE0] =	vst v4;
	v5 =	vld [tilespmem:s0+$0x30]  }
0xc4: {  	[tilespmem:s0+$0xFFFFFFC0] =	vst v3;
	v4 =	vld [tilespmem:s0+$0x70]  }
0xc5: {  	s4 =	simm.s32 $0x2;
	s22 =	simm.s32 $0x5020;
	v3 =	vld.idx.msk [tilespmem:v7+s29+$0x0], $0xffff  }
.LBB2_3:
0xc6: {  	p0 =	slt.u32 s4, $0x7E  }
0xc7: {  	v6 =	vld [tilespmem:s0+$0x20];
	s22 =	sadd.s32 $0x100, s22;
	s6 =	smov.u32 s4;
	s4 =	sadd.s32 $0x2, s4  }
0xc8: {  	v7 =	vld [tilespmem:s0+$0x40]  }
0xc9: {  	v8 =	vld [tilespmem:s0+$0x50]  }
0xca: {  	v9 =	vld [tilespmem:s0+$0x60];
	_ =	sdelay $0x1  }
0xcb: {  	v1 =	vmul.f32 v1, v3;
	v2 =	vmul.f32 v2, v3  }
0xcc: {  	v5 =	vmul.f32 v5, v3;
	v6 =	vmul.f32 v6, v3  }
0xcd: {  	v10 =	vmov s6;
	v7 =	vmul.f32 v7, v3;
	[tilespmem:s0+$0x0] =	vst v1;
	v8 =	vmul.f32 v8, v3  }
0xce: {  	v10 =	vand.u32 $0xFFFFFFFE, v10;
	v1 =	vld [tilespmem:s22+$0x0];
	[tilespmem:s0+$0x30] =	vst v5;
	v5 =	vmul.f32 v9, v3;
	v3 =	vmul.f32 v4, v3  }
0xcf: {  	v4 =	vbroadcast v10, $0x0;
	[tilespmem:s0+$0x10] =	vst v2  }
0xd0: {  	[tilespmem:s0+$0x70] =	vst v3  }
0xd1: {  	v3 =	vld [tilespmem:s22+$0xFFFFFFD0];
	[tilespmem:s0+$0x20] =	vst v6  }
0xd2: {  	v6 =	vld [tilespmem:s22+$0xFFFFFFB0];
	[tilespmem:s0+$0x60] =	vst v5  }
0xd3: {  	v5 =	vld [tilespmem:s22+$0xFFFFFFE0];
	[tilespmem:s0+$0x40] =	vst v7  }
0xd4: {  	v7 =	vld [tilespmem:s22+$0xFFFFFFF0];
	[tilespmem:s0+$0x50] =	vst v8;
	s0 =	smov.u32 s22  }
0xd5: {  	v4 =	vld.idx.msk [tilespmem:v4+s29+$0x0], $0xffff  }
0xd6: {  	v8 =	vld [tilespmem:s22+$0xFFFFFF80]  }
0xd7: {  	v9 =	vld [tilespmem:s22+$0xFFFFFFA0]  }
0xd8: {  	v10 =	vld [tilespmem:s22+$0xFFFFFF90]  }
0xd9: {  	v11 =	vld [tilespmem:s22+$0xFFFFFFC0]  }
0xda: {  	v2 =	vld [tilespmem:s22+$0x10]  }
0xdb: {  	v7 =	vmul.f32 v7, v4;
	v8 =	vmul.f32 v8, v4  }
0xdc: {  	v5 =	vmul.f32 v5, v4;
	v9 =	vmul.f32 v9, v4  }
0xdd: {  	v6 =	vmul.f32 v6, v4;
	v10 =	vmul.f32 v10, v4;
	[tilespmem:s22+$0xFFFFFFF0] =	vst v7  }
0xde: {  	v3 =	vmul.f32 v3, v4;
	[tilespmem:s22+$0xFFFFFF80] =	vst v8;
	v7 =	vmul.f32 v11, v4  }
0xdf: {  	s6 =	sadd.s32 $0x1, s6;
	[tilespmem:s22+$0xFFFFFFA0] =	vst v9  }
0xe0: {  	[tilespmem:s22+$0xFFFFFFB0] =	vst v6;
	v6 =	vmov s6  }
.Ltmp0:
0xe1: {  	[tilespmem:s22+$0xFFFFFFD0] =	vst v3;
	(pc) =	sbr.rel @p0 .LBB2_3-.Ltmp0, $4  }
0xe2: {  	[tilespmem:s22+$0xFFFFFF90] =	vst v10  }
0xe3: {  	[tilespmem:s22+$0xFFFFFFE0] =	vst v5;
	v5 =	vld [tilespmem:s22+$0x30]  }
0xe4: {  	[tilespmem:s22+$0xFFFFFFC0] =	vst v7;
	v4 =	vld [tilespmem:s22+$0x70]  }
0xe5: {  	v3 =	vld.idx.msk [tilespmem:v6+s29+$0x0], $0xffff  }
0xe6: {  	_ =	sdelay $0x1  }
0xe7: {  	v6 =	vld [tilespmem:s0+$0x20];
	_ =	sdelay $0x1  }
0xe8: {  	v7 =	vld [tilespmem:s0+$0x60];
	v1 =	vmul.f32 v1, v3  }
0xe9: {  	v8 =	vld [tilespmem:s0+$0x40];
	v5 =	vmul.f32 v5, v3  }
0xea: {  	v9 =	vld [tilespmem:s0+$0x50];
	v2 =	vmul.f32 v2, v3;
	[tilespmem:s0+$0x0] =	vst v1  }
0xeb: {  	v63 =	vmul.f32 v6, v3;
	[tilespmem:s0+$0x30] =	vst v5  }
0xec: {  	v1 =	vmul.f32 v4, v3;
	[tilespmem:s0+$0x10] =	vst v2  }
0xed: {  	v2 =	vmul.f32 v7, v3;
	[tilespmem:s0+$0x20] =	vst v63  }
0xee: {  	[tilespmem:s0+$0x70] =	vst v1;
	v1 =	vmul.f32 v8, v3  }
0xef: {  	v3 =	vmul.f32 v9, v3;
	[tilespmem:s0+$0x60] =	vst v2  }
0xf0: {  	[tilespmem:s0+$0x40] =	vst v1  }
0xf1: {  	[tilespmem:s0+$0x50] =	vst v3  }
0xf2: {  	[spmem:s2] =	stream.indirect.scatter.add.f32 [tilespmem:s26], [sflag:$0x2], $0x80, s24, s25, $0xb8;
	[tilespmem:$0x1D230] =	vst v63  }
0xf3: {  	s31 =	sadd.s32 $0x1, s31;
	_ =	swait.ge [sflag:s19], $0x4000  }
0xf4: {  	p0 =	sne.s32 s31, $0x51;
	[sflag:s19] =	ssyncset.done $0x0  }
.Ltmp1:
0xf5: {  	[sflag:s19] =	ssyncadd.s32 $0xFFFFC000;
	(pc) =	sbr.rel @p0 .LBB2_2-.Ltmp1, $4  }
0xf6: {  	[spmem:s3] =	stream.indirect.scatter.add.f32 [tilespmem:s29], [sflag:$0x2], $0x1, s24, s25, $0xb8;
	[tilespmem:$0x1D230] =	vst v63  }
0xf7: {  	_ =	swait.ge [sflag:s19], $0x80  }
0xf8: {  	[sflag:s19] =	ssyncset.done $0x0  }
0xf9: {  	[sflag:s19] =	ssyncadd.s32 $0xFFFFFF80  }
0xfa: {  	[bflag:$0x0] =	sbarrier.arrive $0xFFFF  }
0xfb: {  	[hbm:s15], [sflag:s12] =	dma.local [spmem:s18], $0x2800  }
0xfc: {  	s30 =	sadd.s32 $0x1, s30;
	_ =	swait.ge [sflag:s19], $0x2800  }
0xfd: {  	p0 =	sne.s32 s30, s17;
	[sflag:s19] =	ssyncset.done $0x0  }
.Ltmp2:
0xfe: {  	[sflag:s19] =	ssyncadd.s32 $0xFFFFD800;
	(pc) =	sbr.rel @p0 .LBB2_1-.Ltmp2, $4  }
0xff: {  	[hbm:s16], [sflag:s12] =	dma.local [spmem:s20], $0x50  }
0x100: {  	_ =	swait.ge [sflag:s19], $0x50  }
0x101: {  	[sflag:s19] =	ssyncset.done $0x0  }
0x102: {  	[sflag:s19] =	ssyncadd.s32 $0xFFFFFFB0  }
0x103: {  	_ =	sfence.sel $0x180000  }
0x104: {  	[bflag:$0x0] =	sbarrier.arrive $0xFFFF  }
0x105: {  	_ =	strace $0x90000047  }
0x106: {  	s0 =	stileid.u32;
	[bflag:$0x2] =	sbarrier.arrive $0xFFFF  }
0x107: {  	p0 =	sne.s32 s0, $0x0;
	s0 =	rddreg [dreg:$0x4]  }
0x108: {  	s0 =	sadd.s32 @!p0 $0x100000, s0  }
0x109: {  	[sflag:s0] =	ssyncadd.tile.s32 @!p0 $0x1;
	_ =	shalt  }
.Lfunc_end2:
_tile_overlayer_lowered:
.L_overlay_start_2:
0x10a: {  	(tag) =	ssettag $0x2  }
0x10b: {  	s0 =	rddreg [dreg:$0x0];
	s2 =	stileid.u32  }
0x10c: {  	s1 =	rddreg [dreg:$0x1];
	p0 =	sne.s32 s2, $0x0  }
0x10d: {  	s3 =	rddreg [dreg:$0x2];
	[bflag:$0x3] =	sbarrier.arrive $0xFFFF;
	s2 =	simm.s32 @!p0 $0x1C02  }
0x10e: {  	[timem:s3], [sflag:s2] =	dma.local @!p0 [hbm:s0], s1  }
0x10f: {  	s0 =	simm.s32 @!p0 $0x2  }
0x110: {  	_ =	swait.ge @!p0 [sflag:s0], s1  }
0x111: {  	s1 =	ssub.s32 @!p0 $0x0, s1;
	[sflag:s0] =	ssyncset.done @!p0 $0x0  }
0x112: {  	[sflag:s0] =	ssyncadd.s32 @!p0 s1  }
0x113: {  	[bflag:$0x3] =	sbarrier.arrive $0xFFFF  }
0x114: {  	_ =	shalt  }

</sc_bundles>
